<compile_context>
chip_gen: v7x
topology: tpu7x:2x2x1
jax: 0.10.2.dev20260603
libtpu: 0.0.44.dev20260713+nightly
codegen_flags: <defaults>
</compile_context>

<pallas_src>
import jax
import jax.numpy as jnp
from jax import lax
from jax.experimental import pallas as pl
from jax.experimental.pallas import tpu as pltpu
from jax.experimental.pallas import tpu_sc as plsc

TOKENS = 32768
D = 2048
B = 16

T_TC = 16384
T_SC = TOKENS - T_TC
BLK = 1024

NC = 2
NS = 16
LANES = 16
NSTRIPE = 16
CPW = D // NSTRIPE
HREG = CPW // LANES
TPH = T_SC // 2
CHUNK = 256
NCHUNK = TPH // CHUNK


NBUF = 3


def _pool_sc_body(hid_hbm, lens_hbm, out_hbm, buf0_v, buf1_v, buf2_v, acc_v,
                  lens_v, sem0, sem1, sem2):
    c = lax.axis_index("c")
    s = lax.axis_index("s")
    base_t = T_TC + c * TPH
    cbase = s * CPW

    def gather(ci, buf, sem):
        c0 = base_t + ci * CHUNK
        pltpu.async_copy(
            hid_hbm.at[pl.ds(c0, CHUNK), pl.ds(cbase, CPW)], buf, sem)

    def wait(buf, sem):
        pltpu.make_async_copy(
            hid_hbm.at[pl.ds(base_t, CHUNK), pl.ds(cbase, CPW)], buf,
            sem).wait()

    bufs = [buf0_v, buf1_v, buf2_v][:NBUF]
    sems = [sem0, sem1, sem2][:NBUF]
    for k in range(NBUF - 1):
        gather(k, bufs[k], sems[k])

    def zero_body(k, carry):
        acc_v[k // HREG, pl.ds((k % HREG) * LANES, LANES)] = (
            jnp.zeros((LANES,), jnp.float32))
        return carry

    lax.fori_loop(0, B * HREG, zero_body, 0)

    pltpu.sync_copy(lens_hbm, lens_v)
    ends = plsc.cumsum(lens_v[...])
    lane = lax.iota(jnp.int32, LANES)

    def seg_end(b):
        return jnp.max(jnp.where(lane == b, ends, 0))

    def process(ci, buf, st):
        c0 = base_t + ci * CHUNK
        c1 = c0 + CHUNK

        def cond(s):
            return s[0] < c1

        def span_body(s):
            pos, seg, end_b = s
            hi = jnp.minimum(end_b, c1)

            def tok_body(jt, regs):
                return tuple(
                    regs[h] + buf[jt, pl.ds(h * LANES, LANES)]
                    for h in range(HREG))

            init = tuple(
                acc_v[seg, pl.ds(h * LANES, LANES)] for h in range(HREG))
            regs = lax.fori_loop(pos - c0, hi - c0, tok_body, init)
            for h in range(HREG):
                acc_v[seg, pl.ds(h * LANES, LANES)] = regs[h]

            adv = end_b <= c1
            seg2 = jnp.where(adv, seg + 1, seg)
            end2 = jnp.where(adv, seg_end(seg2), end_b)
            return (hi, seg2, end2)

        out = lax.while_loop(cond, span_body, (c0, st[0], st[1]))
        return (out[1], out[2])

    def group_body(jp, st):
        for u in range(NBUF):
            ci = jp * NBUF + u
            pre = ci + NBUF - 1

            @pl.when(pre < NCHUNK)
            def _():
                gather(pre, bufs[(NBUF - 1 + u) % NBUF],
                       sems[(NBUF - 1 + u) % NBUF])

            wait(bufs[u], sems[u])
            st = process(ci, bufs[u], st)
        return st

    seg0 = jnp.sum((ends <= base_t).astype(jnp.int32))
    st = (seg0, seg_end(seg0))
    ngroup = NCHUNK // NBUF
    st = lax.fori_loop(0, ngroup, group_body, st)
    for ci in range(ngroup * NBUF, NCHUNK):
        u = ci % NBUF
        wait(bufs[u], sems[u])
        st = process(ci, bufs[u], st)
    pltpu.sync_copy(acc_v, out_hbm.at[c, :, pl.ds(cbase, CPW)])


def _pool_sc(hidden_states, prompt_lens):
    mesh = plsc.VectorSubcoreMesh(core_axis_name="c", subcore_axis_name="s")
    return pl.kernel(
        _pool_sc_body,
        out_type=jax.ShapeDtypeStruct((NC, B, D), jnp.float32),
        mesh=mesh,
        scratch_types=[
            pltpu.VMEM((CHUNK, CPW), jnp.float32),
            pltpu.VMEM((CHUNK, CPW), jnp.float32),
            pltpu.VMEM((CHUNK, CPW), jnp.float32),
            pltpu.VMEM((B, CPW), jnp.float32),
            pltpu.VMEM((B,), jnp.int32),
            pltpu.SemaphoreType.DMA,
            pltpu.SemaphoreType.DMA,
            pltpu.SemaphoreType.DMA,
        ],
        compiler_params=pltpu.CompilerParams(needs_layout_passes=False),
    )(hidden_states, prompt_lens)


def _pool_tc_body(lens_row_ref, x_ref, out_ref):
    i = pl.program_id(0)
    lens = lens_row_ref[...]
    tri = (jax.lax.broadcasted_iota(jnp.int32, (B, B), 0)
           <= jax.lax.broadcasted_iota(jnp.int32, (B, B), 1)).astype(jnp.float32)
    ends = jax.lax.dot_general(lens, tri, (((1,), (0,)), ((), ())),
                               precision=jax.lax.Precision.HIGHEST,
                               preferred_element_type=jnp.float32)
    starts = ends - lens
    rows = (i * BLK
            + jax.lax.broadcasted_iota(jnp.int32, (BLK, 1), 0)).astype(jnp.float32)
    oh = ((rows >= starts) & (rows < ends)).astype(jnp.float32)
    part = jax.lax.dot_general(
        oh, x_ref[...], (((0,), (0,)), ((), ())),
        precision=jax.lax.Precision.HIGHEST,
        preferred_element_type=jnp.float32)

    @pl.when(i == 0)
    def _():
        out_ref[...] = part

    @pl.when(i > 0)
    def _():
        out_ref[...] += part


def _pool_tc(hidden_states, lens_row):
    return pl.pallas_call(
        _pool_tc_body,
        grid=(T_TC // BLK,),
        in_specs=[
            pl.BlockSpec((1, B), lambda i: (0, 0)),
            pl.BlockSpec((BLK, D), lambda i: (i, 0)),
        ],
        out_specs=pl.BlockSpec((B, D), lambda i: (0, 0)),
        out_shape=jax.ShapeDtypeStruct((B, D), jnp.float32),
    )(lens_row, hidden_states)


def _finish_body(lens_col_ref, tc_ref, sc_ref, out_ref):
    total = tc_ref[...] + sc_ref[0] + sc_ref[1]
    pooled = total / lens_col_ref[...]
    ss = jnp.sum(pooled * pooled, axis=1, keepdims=True)
    out_ref[...] = pooled / jnp.maximum(jnp.sqrt(ss), 1e-12)


def kernel(hidden_states, prompt_lens):
    lens_row = prompt_lens.reshape(1, B).astype(jnp.float32)
    lens_col = prompt_lens.reshape(B, 1).astype(jnp.float32)
    sc_parts = _pool_sc(hidden_states, prompt_lens)
    tc_part = _pool_tc(hidden_states, lens_row)
    return pl.pallas_call(
        _finish_body,
        out_shape=jax.ShapeDtypeStruct((B, D), jnp.float32),
    )(lens_col, tc_part, sc_parts)

# --- scband reference (transcript-rebuilt; emitter-appended) ---
"""Pipeline reference for scband-pooler-36137854828737 (READ-ONLY COPY).

The authoritative reference and input builder live on the scoring server;
editing this copy changes nothing except your own understanding.
"""

import jax, jax.numpy as jnp
import numpy as np

TOTAL_TOKENS = 32768
D_MODEL = 2048
BATCH = 16


def _make_prompt_lens():
    rng = np.random.default_rng(0)
    lens = rng.integers(256, 4096, size=BATCH).astype(np.int64)
    lens = np.maximum(lens * TOTAL_TOKENS // lens.sum(), 1)
    lens[-1] += TOTAL_TOKENS - lens.sum()
    assert lens.sum() == TOTAL_TOKENS and (lens > 0).all()
    return jnp.asarray(lens, dtype=jnp.int32)


def setup_inputs(seed: int = 0):
    key = jax.random.key(seed)
    hidden_states = jax.random.normal(key, (TOTAL_TOKENS, D_MODEL), dtype=jnp.float32)
    prompt_lens = _make_prompt_lens()
    return {"hidden_states": hidden_states, "prompt_lens": prompt_lens}


def reference(hidden_states, prompt_lens):
    # PoolingType.MEAN: prefix-sum trick over the flat ragged token dim
    cs = jnp.cumsum(hidden_states, axis=0)
    start_indices = jnp.concatenate([
        jnp.zeros((1,), dtype=prompt_lens.dtype),
        jnp.cumsum(prompt_lens[:-1]),
    ])
    end_indices = jnp.cumsum(prompt_lens)
    pooled = (cs[end_indices - 1] - cs[start_indices] + hidden_states[start_indices]) \
             / prompt_lens[:, None].astype(hidden_states.dtype)
    # normalize=True -> F.normalize(p=2, dim=1, eps=1e-12)
    norm = jnp.maximum(jnp.linalg.norm(pooled, ord=2, axis=1, keepdims=True), 1e-12)
    return pooled / norm

if __name__ == "__main__":
    import jax
    _d = setup_inputs()
    print(jax.jit(kernel)(*tuple(_d.values())))

</pallas_src>

<mosaic_0001>
#map = affine_map<(d0, d1) -> (0, 0)>
#map1 = affine_map<(d0, d1) -> (0)>
#map2 = affine_map<(d0, d1) -> (0, 0, 0)>
module attributes {stable_mosaic.version = 14 : i64} {
  func.func @_pool_sc_body(%arg0: i32, %arg1: i32, %arg2: memref<32768x2048xf32, #tpu.memory_space<hbm>>, %arg3: memref<16xi32, #tpu.memory_space<hbm>>, %arg4: memref<2x16x2048xf32, #tpu.memory_space<hbm>>, %arg5: memref<256x128xf32, #tpu.memory_space<vmem>>, %arg6: memref<256x128xf32, #tpu.memory_space<vmem>>, %arg7: memref<256x128xf32, #tpu.memory_space<vmem>>, %arg8: memref<16x128xf32, #tpu.memory_space<vmem>>, %arg9: memref<16xi32, #tpu.memory_space<vmem>>, %arg10: memref<!tpu.dma_semaphore, #tpu.memory_space<semaphore_mem>>, %arg11: memref<!tpu.dma_semaphore, #tpu.memory_space<semaphore_mem>>, %arg12: memref<!tpu.dma_semaphore, #tpu.memory_space<semaphore_mem>>) attributes {dimension_semantics = [#tpu.dimension_semantics<core_parallel>, #tpu.dimension_semantics<subcore_parallel>], iteration_bounds = array<i64: 2, 16>, scalar_prefetch = 0 : i64, scratch_operands = 8 : i64, tpu.core_type = #tpu.core_type<sc_vector_subcore>, window_params = [{transform_indices = #map}, {transform_indices = #map1}, {transform_indices = #map2}]} {
    %mul3A = arith.constant 8192 : i32
    %mul3A_0 = arith.muli %arg0, %mul3A : i32
    %add3A = arith.constant 16384 : i32
    %add3A_1 = arith.addi %add3A, %mul3A_0 : i32
    %mul3A_2 = arith.constant 128 : i32
    %mul3A_3 = arith.muli %arg1, %mul3A_2 : i32
    %add3A_4 = arith.constant 0 : i32
    %add3A_5 = arith.addi %add3A_1, %add3A_4 : i32
    %dma_start3A = tpu.memref_slice %arg2[%add3A_5, %mul3A_3] : memref<32768x2048xf32, #tpu.memory_space<hbm>> -> memref<256x128xf32, #tpu.memory_space<hbm>>
    %dma_start3A_6 = tpu.memref_slice %arg2[%add3A_5, %mul3A_3] : memref<32768x2048xf32, #tpu.memory_space<hbm>> -> memref<256x128xf32, #tpu.memory_space<hbm>>
    tpu.enqueue_dma source(%dma_start3A_6 : memref<256x128xf32, #tpu.memory_space<hbm>>) target(%arg5 : memref<256x128xf32, #tpu.memory_space<vmem>>) target_semaphore(%arg10 : memref<!tpu.dma_semaphore, #tpu.memory_space<semaphore_mem>>)
    %add3A_7 = arith.constant 256 : i32
    %add3A_8 = arith.addi %add3A_1, %add3A_7 : i32
    %dma_start3A_9 = tpu.memref_slice %arg2[%add3A_8, %mul3A_3] : memref<32768x2048xf32, #tpu.memory_space<hbm>> -> memref<256x128xf32, #tpu.memory_space<hbm>>
    %dma_start3A_10 = tpu.memref_slice %arg2[%add3A_8, %mul3A_3] : memref<32768x2048xf32, #tpu.memory_space<hbm>> -> memref<256x128xf32, #tpu.memory_space<hbm>>
    tpu.enqueue_dma source(%dma_start3A_10 : memref<256x128xf32, #tpu.memory_space<hbm>>) target(%arg6 : memref<256x128xf32, #tpu.memory_space<vmem>>) target_semaphore(%arg11 : memref<!tpu.dma_semaphore, #tpu.memory_space<semaphore_mem>>)
    %scan3A = arith.constant 0 : i32
    %scan3A_11 = arith.constant 0 : i32
    %scan3A_12 = arith.constant 128 : i32
    %scan3A_13 = arith.addi %scan3A_11, %scan3A_12 : i32
    %scan3A_14 = arith.constant 1 : i32
    scf.for %scan3A_49 = %scan3A_11 to %scan3A_13 step %scan3A_14  : i32 {
      %broadcast_in_dim3A_50 = arith.constant 0.000000e+00 : f32
      %broadcast_in_dim3A_51 = vector.broadcast %broadcast_in_dim3A_50 : f32 to vector<16xf32>
      %jit3A_52 = arith.constant 8 : i32
      %div3A = arith.divsi %scan3A_49, %jit3A_52 : i32
      %sign3A = arith.constant 0 : i32
      %sign3A_53 = arith.cmpi sgt, %scan3A_49, %sign3A : i32
      %sign3A_54 = arith.extui %sign3A_53 : i1 to i32
      %sign3A_55 = arith.constant 0 : i32
      %sign3A_56 = arith.cmpi slt, %scan3A_49, %sign3A_55 : i32
      %sign3A_57 = arith.extui %sign3A_56 : i1 to i32
      %sign3A_58 = arith.subi %sign3A_54, %sign3A_57 : i32
      %sign3A_59 = arith.constant 0 : i32
      %sign3A_60 = arith.cmpi sgt, %jit3A_52, %sign3A_59 : i32
      %sign3A_61 = arith.extui %sign3A_60 : i1 to i32
      %sign3A_62 = arith.constant 0 : i32
      %sign3A_63 = arith.cmpi slt, %jit3A_52, %sign3A_62 : i32
      %sign3A_64 = arith.extui %sign3A_63 : i1 to i32
      %sign3A_65 = arith.subi %sign3A_61, %sign3A_64 : i32
      %ne3A = arith.cmpi ne, %sign3A_58, %sign3A_65 : i32
      %rem3A = arith.remsi %scan3A_49, %jit3A_52 : i32
      %ne3A_66 = arith.constant 0 : i32
      %ne3A_67 = arith.cmpi ne, %rem3A, %ne3A_66 : i32
      %and3A = arith.andi %ne3A, %ne3A_67 : i1
      %sub3A = arith.constant 1 : i32
      %sub3A_68 = arith.subi %div3A, %sub3A : i32
      %select_n3A_69 = arith.select %and3A, %sub3A_68, %div3A : i32
      %jit3A_70 = arith.constant 8 : i32
      %eq3A_71 = arith.constant 0 : i32
      %eq3A_72 = arith.cmpi eq, %jit3A_70, %eq3A_71 : i32
      %jit3A_73 = arith.constant 1 : i32
      %select_n3A_74 = arith.select %eq3A_72, %jit3A_73, %jit3A_70 : i32
      %rem3A_75 = arith.remsi %scan3A_49, %select_n3A_74 : i32
      %ne3A_76 = arith.constant 0 : i32
      %ne3A_77 = arith.cmpi ne, %rem3A_75, %ne3A_76 : i32
      %lt3A = arith.constant 0 : i32
      %lt3A_78 = arith.cmpi slt, %rem3A_75, %lt3A : i32
      %lt3A_79 = arith.constant 0 : i32
      %lt3A_80 = arith.cmpi slt, %select_n3A_74, %lt3A_79 : i32
      %ne3A_81 = arith.xori %lt3A_78, %lt3A_80 : i1
      %and3A_82 = arith.andi %ne3A_81, %ne3A_77 : i1
      %add3A_83 = arith.addi %rem3A_75, %select_n3A_74 : i32
      %select_n3A_84 = arith.select %and3A_82, %add3A_83, %rem3A_75 : i32
      %mul3A_85 = arith.constant 16 : i32
      %mul3A_86 = arith.muli %select_n3A_84, %mul3A_85 : i32
      %swap3A = arith.index_cast %select_n3A_69 : i32 to index
      %swap3A_87 = arith.index_cast %mul3A_86 : i32 to index
      %swap3A_88 = tpu.vector_load %arg8[%swap3A, %swap3A_87] {strides = array<i32>} : memref<16x128xf32, #tpu.memory_space<vmem>>, vector<16xf32>,
      tpu.vector_store %arg8[%swap3A, %swap3A_87], %broadcast_in_dim3A_51 {strides = array<i32>} : memref<16x128xf32, #tpu.memory_space<vmem>>, vector<16xf32>,
    }
    %scan3A_15 = arith.constant 128 : i32
    "tpu.region"() ({
      %run_scoped3A = tpu.sem_alloc : memref<!tpu.dma_semaphore, #tpu.memory_space<semaphore_mem>>
      tpu.enqueue_dma source(%arg3 : memref<16xi32, #tpu.memory_space<hbm>>) target(%arg9 : memref<16xi32, #tpu.memory_space<vmem>>) target_semaphore(%run_scoped3A : memref<!tpu.dma_semaphore, #tpu.memory_space<semaphore_mem>>)
      tpu.wait_dma2 semaphore(%run_scoped3A : memref<!tpu.dma_semaphore, #tpu.memory_space<semaphore_mem>>) src(%arg3 : memref<16xi32, #tpu.memory_space<hbm>>) dst(%arg9 : memref<16xi32, #tpu.memory_space<vmem>>)
      tpu.yield
    }) : () -> ()
    %get3A = arith.constant 0 : index
    %get3A_16 = tpu.vector_load %arg9[%get3A] {strides = array<i32>} : memref<16xi32, #tpu.memory_space<vmem>>, vector<16xi32>,
    %broadcast_in_dim3A = arith.constant true
    %broadcast_in_dim3A_17 = vector.broadcast %broadcast_in_dim3A : i1 to vector<16xi1>
    %masked_cumsum3A = tpu.scan <sum>, %get3A_16 masked %broadcast_in_dim3A_17 : vector<16xi32>, vector<16xi1> -> vector<16xi32>
    %iota3A = tpu.iota {dimensions = array<i32: 0>} : vector<16xi32>
    %le3A = vector.broadcast %add3A_1 : i32 to vector<16xi32>
    %le3A_18 = arith.cmpi sle, %masked_cumsum3A, %le3A : vector<16xi32>
    %convert_element_type3A = arith.extui %le3A_18 : vector<16xi1> to vector<16xi32>
    %reduce_sum3A = arith.constant true
    %reduce_sum3A_19 = vector.broadcast %reduce_sum3A : i1 to vector<16xi1>
    %reduce_sum3A_20 = tpu.scan <sum>, %convert_element_type3A masked %reduce_sum3A_19 : vector<16xi32>, vector<16xi1> -> vector<16xi32>
    %reduce_sum3A_21 = vector.extract %reduce_sum3A_20[15] : i32 from vector<16xi32>
    %eq3A = vector.broadcast %reduce_sum3A_21 : i32 to vector<16xi32>
    %eq3A_22 = arith.cmpi eq, %iota3A, %eq3A : vector<16xi32>
    %jit3A = arith.constant 0 : i32
    %broadcast_in_dim3A_23 = vector.broadcast %jit3A : i32 to vector<16xi32>
    %select_n3A = arith.select %eq3A_22, %masked_cumsum3A, %broadcast_in_dim3A_23 : vector<16xi1>, vector<16xi32>
    %reduce_max3A = arith.constant true
    %reduce_max3A_24 = vector.broadcast %reduce_max3A : i1 to vector<16xi1>
    %reduce_max3A_25 = arith.constant -2147483648 : i32
    %reduce_max3A_26 = vector.broadcast %reduce_max3A_25 : i32 to vector<16xi32>
    %reduce_max3A_27 = arith.xori %select_n3A, %reduce_max3A_26 : vector<16xi32>
    %reduce_max3A_28 = tpu.scan <max>, %reduce_max3A_27 masked %reduce_max3A_24 : vector<16xi32>, vector<16xi1> -> vector<16xi32>
    %reduce_max3A_29 = arith.xori %reduce_max3A_28, %reduce_max3A_26 : vector<16xi32>
    %reduce_max3A_30 = vector.extract %reduce_max3A_29[15] : i32 from vector<16xi32>
    %scan3A_31 = arith.constant 0 : i32
    %scan3A_32 = arith.constant 10 : i32
    %scan3A_33 = arith.addi %scan3A_31, %scan3A_32 : i32
    %scan3A_34 = arith.constant 1 : i32
    %scan3A_35:2 = scf.for %scan3A_49 = %scan3A_31 to %scan3A_33 step %scan3A_34 iter_args(%scan3A_50 = %reduce_sum3A_21, %scan3A_51 = %reduce_max3A_30) -> (i32, i32)  : i32 {
      %mul3A_52 = arith.constant 3 : i32
      %mul3A_53 = arith.muli %scan3A_49, %mul3A_52 : i32
      %add3A_54 = arith.constant 0 : i32
      %add3A_55 = arith.addi %mul3A_53, %add3A_54 : i32
      %add3A_56 = arith.constant 3 : i32
      %add3A_57 = arith.addi %add3A_55, %add3A_56 : i32
      %sub3A = arith.constant 1 : i32
      %sub3A_58 = arith.subi %add3A_57, %sub3A : i32
      %lt3A = arith.constant 32 : i32
      %lt3A_59 = arith.cmpi slt, %sub3A_58, %lt3A : i32
      %convert_element_type3A_60 = arith.extui %lt3A_59 : i1 to i32
      %cond3A = arith.constant 0 : i32
      %cond3A_61 = arith.cmpi ne, %convert_element_type3A_60, %cond3A : i32
      scf.if %cond3A_61 {
        %mul3A_112 = arith.constant 256 : i32
        %mul3A_113 = arith.muli %sub3A_58, %mul3A_112 : i32
        %add3A_114 = arith.addi %add3A_1, %mul3A_113 : i32
        %dma_start3A_115 = tpu.memref_slice %arg2[%add3A_114, %mul3A_3] : memref<32768x2048xf32, #tpu.memory_space<hbm>> -> memref<256x128xf32, #tpu.memory_space<hbm>>
        %dma_start3A_116 = tpu.memref_slice %arg2[%add3A_114, %mul3A_3] : memref<32768x2048xf32, #tpu.memory_space<hbm>> -> memref<256x128xf32, #tpu.memory_space<hbm>>
        tpu.enqueue_dma source(%dma_start3A_116 : memref<256x128xf32, #tpu.memory_space<hbm>>) target(%arg7 : memref<256x128xf32, #tpu.memory_space<vmem>>) target_semaphore(%arg12 : memref<!tpu.dma_semaphore, #tpu.memory_space<semaphore_mem>>)
      } else {
      }
      %dma_wait3A_62 = tpu.memref_slice %arg2[%add3A_1, %mul3A_3] : memref<32768x2048xf32, #tpu.memory_space<hbm>> -> memref<256x128xf32, #tpu.memory_space<hbm>>
      %dma_wait3A_63 = tpu.memref_slice %arg2[%add3A_1, %mul3A_3] : memref<32768x2048xf32, #tpu.memory_space<hbm>> -> memref<256x128xf32, #tpu.memory_space<hbm>>
      tpu.wait_dma2 semaphore(%arg10 : memref<!tpu.dma_semaphore, #tpu.memory_space<semaphore_mem>>) src(%dma_wait3A_63 : memref<256x128xf32, #tpu.memory_space<hbm>>) dst(%arg5 : memref<256x128xf32, #tpu.memory_space<vmem>>)
      %mul3A_64 = arith.constant 256 : i32
      %mul3A_65 = arith.muli %add3A_55, %mul3A_64 : i32
      %add3A_66 = arith.addi %add3A_1, %mul3A_65 : i32
      %add3A_67 = arith.constant 256 : i32
      %add3A_68 = arith.addi %add3A_66, %add3A_67 : i32
      %while3A_69:3 = scf.while (%while3A_112 = %add3A_66, %while3A_113 = %scan3A_50, %while3A_114 = %scan3A_51) : (i32, i32, i32) -> (i32, i32, i32) {
        %lt3A_115 = arith.cmpi slt, %while3A_112, %add3A_68 : i32
        scf.condition(%lt3A_115) %while3A_112, %while3A_113, %while3A_114 : i32, i32, i32
      } do {
      ^bb0(%while3A_112: i32, %while3A_113: i32, %while3A_114: i32):
        %min3A = arith.minsi %while3A_114, %add3A_68 : i32
        %get3A_115 = arith.index_cast %while3A_113 : i32 to index
        %get3A_116 = arith.constant 0 : index
        %get3A_117 = tpu.vector_load %arg8[%get3A_115, %get3A_116] {strides = array<i32>} : memref<16x128xf32, #tpu.memory_space<vmem>>, vector<16xf32>,
        %get3A_118 = arith.index_cast %while3A_113 : i32 to index
        %get3A_119 = arith.constant 16 : index
        %get3A_120 = tpu.vector_load %arg8[%get3A_118, %get3A_119] {strides = array<i32>} : memref<16x128xf32, #tpu.memory_space<vmem>>, vector<16xf32>,
        %get3A_121 = arith.index_cast %while3A_113 : i32 to index
        %get3A_122 = arith.constant 32 : index
        %get3A_123 = tpu.vector_load %arg8[%get3A_121, %get3A_122] {strides = array<i32>} : memref<16x128xf32, #tpu.memory_space<vmem>>, vector<16xf32>,
        %get3A_124 = arith.index_cast %while3A_113 : i32 to index
        %get3A_125 = arith.constant 48 : index
        %get3A_126 = tpu.vector_load %arg8[%get3A_124, %get3A_125] {strides = array<i32>} : memref<16x128xf32, #tpu.memory_space<vmem>>, vector<16xf32>,
        %get3A_127 = arith.index_cast %while3A_113 : i32 to index
        %get3A_128 = arith.constant 64 : index
        %get3A_129 = tpu.vector_load %arg8[%get3A_127, %get3A_128] {strides = array<i32>} : memref<16x128xf32, #tpu.memory_space<vmem>>, vector<16xf32>,
        %get3A_130 = arith.index_cast %while3A_113 : i32 to index
        %get3A_131 = arith.constant 80 : index
        %get3A_132 = tpu.vector_load %arg8[%get3A_130, %get3A_131] {strides = array<i32>} : memref<16x128xf32, #tpu.memory_space<vmem>>, vector<16xf32>,
        %get3A_133 = arith.index_cast %while3A_113 : i32 to index
        %get3A_134 = arith.constant 96 : index
        %get3A_135 = tpu.vector_load %arg8[%get3A_133, %get3A_134] {strides = array<i32>} : memref<16x128xf32, #tpu.memory_space<vmem>>, vector<16xf32>,
        %get3A_136 = arith.index_cast %while3A_113 : i32 to index
        %get3A_137 = arith.constant 112 : index
        %get3A_138 = tpu.vector_load %arg8[%get3A_136, %get3A_137] {strides = array<i32>} : memref<16x128xf32, #tpu.memory_space<vmem>>, vector<16xf32>,
        %sub3A_139 = arith.subi %while3A_112, %add3A_66 : i32
        %sub3A_140 = arith.subi %min3A, %add3A_66 : i32
        %while3A_141 = arith.subi %sub3A_140, %sub3A_139 : i32
        %while3A_142 = arith.addi %sub3A_139, %while3A_141 : i32
        %while3A_143 = arith.constant 1 : i32
        %while3A_144 = arith.divsi %while3A_141, %while3A_143 : i32
        %while3A_145 = arith.muli %while3A_144, %while3A_143 : i32
        %while3A_146 = arith.addi %sub3A_139, %while3A_145 : i32
        %while3A_147 = arith.constant 1 : i32
        %while3A_148:8 = scf.for %while3A_192 = %sub3A_139 to %while3A_146 step %while3A_147 iter_args(%while3A_193 = %get3A_117, %while3A_194 = %get3A_120, %while3A_195 = %get3A_123, %while3A_196 = %get3A_126, %while3A_197 = %get3A_129, %while3A_198 = %get3A_132, %while3A_199 = %get3A_135, %while3A_200 = %get3A_138) -> (vector<16xf32>, vector<16xf32>, vector<16xf32>, vector<16xf32>, vector<16xf32>, vector<16xf32>, vector<16xf32>, vector<16xf32>)  : i32 {
          %get3A_201 = arith.index_cast %while3A_192 : i32 to index
          %get3A_202 = arith.constant 0 : index
          %get3A_203 = tpu.vector_load %arg5[%get3A_201, %get3A_202] {strides = array<i32>} : memref<256x128xf32, #tpu.memory_space<vmem>>, vector<16xf32>,
          %add3A_204 = arith.addf %while3A_193, %get3A_203 : vector<16xf32>
          %get3A_205 = arith.index_cast %while3A_192 : i32 to index
          %get3A_206 = arith.constant 16 : index
          %get3A_207 = tpu.vector_load %arg5[%get3A_205, %get3A_206] {strides = array<i32>} : memref<256x128xf32, #tpu.memory_space<vmem>>, vector<16xf32>,
          %add3A_208 = arith.addf %while3A_194, %get3A_207 : vector<16xf32>
          %get3A_209 = arith.index_cast %while3A_192 : i32 to index
          %get3A_210 = arith.constant 32 : index
          %get3A_211 = tpu.vector_load %arg5[%get3A_209, %get3A_210] {strides = array<i32>} : memref<256x128xf32, #tpu.memory_space<vmem>>, vector<16xf32>,
          %add3A_212 = arith.addf %while3A_195, %get3A_211 : vector<16xf32>
          %get3A_213 = arith.index_cast %while3A_192 : i32 to index
          %get3A_214 = arith.constant 48 : index
          %get3A_215 = tpu.vector_load %arg5[%get3A_213, %get3A_214] {strides = array<i32>} : memref<256x128xf32, #tpu.memory_space<vmem>>, vector<16xf32>,
          %add3A_216 = arith.addf %while3A_196, %get3A_215 : vector<16xf32>
          %get3A_217 = arith.index_cast %while3A_192 : i32 to index
          %get3A_218 = arith.constant 64 : index
          %get3A_219 = tpu.vector_load %arg5[%get3A_217, %get3A_218] {strides = array<i32>} : memref<256x128xf32, #tpu.memory_space<vmem>>, vector<16xf32>,
          %add3A_220 = arith.addf %while3A_197, %get3A_219 : vector<16xf32>
          %get3A_221 = arith.index_cast %while3A_192 : i32 to index
          %get3A_222 = arith.constant 80 : index
          %get3A_223 = tpu.vector_load %arg5[%get3A_221, %get3A_222] {strides = array<i32>} : memref<256x128xf32, #tpu.memory_space<vmem>>, vector<16xf32>,
          %add3A_224 = arith.addf %while3A_198, %get3A_223 : vector<16xf32>
          %get3A_225 = arith.index_cast %while3A_192 : i32 to index
          %get3A_226 = arith.constant 96 : index
          %get3A_227 = tpu.vector_load %arg5[%get3A_225, %get3A_226] {strides = array<i32>} : memref<256x128xf32, #tpu.memory_space<vmem>>, vector<16xf32>,
          %add3A_228 = arith.addf %while3A_199, %get3A_227 : vector<16xf32>
          %get3A_229 = arith.index_cast %while3A_192 : i32 to index
          %get3A_230 = arith.constant 112 : index
          %get3A_231 = tpu.vector_load %arg5[%get3A_229, %get3A_230] {strides = array<i32>} : memref<256x128xf32, #tpu.memory_space<vmem>>, vector<16xf32>,
          %add3A_232 = arith.addf %while3A_200, %get3A_231 : vector<16xf32>
          scf.yield %add3A_204, %add3A_208, %add3A_212, %add3A_216, %add3A_220, %add3A_224, %add3A_228, %add3A_232 : vector<16xf32>, vector<16xf32>, vector<16xf32>, vector<16xf32>, vector<16xf32>, vector<16xf32>, vector<16xf32>, vector<16xf32>
        }
        %while3A_149 = arith.constant 1 : i32
        %while3A_150:8 = scf.for %while3A_192 = %while3A_146 to %while3A_142 step %while3A_149 iter_args(%while3A_193 = %while3A_148#0, %while3A_194 = %while3A_148#1, %while3A_195 = %while3A_148#2, %while3A_196 = %while3A_148#3, %while3A_197 = %while3A_148#4, %while3A_198 = %while3A_148#5, %while3A_199 = %while3A_148#6, %while3A_200 = %while3A_148#7) -> (vector<16xf32>, vector<16xf32>, vector<16xf32>, vector<16xf32>, vector<16xf32>, vector<16xf32>, vector<16xf32>, vector<16xf32>)  : i32 {
          %get3A_201 = arith.index_cast %while3A_192 : i32 to index
          %get3A_202 = arith.constant 0 : index
          %get3A_203 = tpu.vector_load %arg5[%get3A_201, %get3A_202] {strides = array<i32>} : memref<256x128xf32, #tpu.memory_space<vmem>>, vector<16xf32>,
          %add3A_204 = arith.addf %while3A_193, %get3A_203 : vector<16xf32>
          %get3A_205 = arith.index_cast %while3A_192 : i32 to index
          %get3A_206 = arith.constant 16 : index
          %get3A_207 = tpu.vector_load %arg5[%get3A_205, %get3A_206] {strides = array<i32>} : memref<256x128xf32, #tpu.memory_space<vmem>>, vector<16xf32>,
          %add3A_208 = arith.addf %while3A_194, %get3A_207 : vector<16xf32>
          %get3A_209 = arith.index_cast %while3A_192 : i32 to index
          %get3A_210 = arith.constant 32 : index
          %get3A_211 = tpu.vector_load %arg5[%get3A_209, %get3A_210] {strides = array<i32>} : memref<256x128xf32, #tpu.memory_space<vmem>>, vector<16xf32>,
          %add3A_212 = arith.addf %while3A_195, %get3A_211 : vector<16xf32>
          %get3A_213 = arith.index_cast %while3A_192 : i32 to index
          %get3A_214 = arith.constant 48 : index
          %get3A_215 = tpu.vector_load %arg5[%get3A_213, %get3A_214] {strides = array<i32>} : memref<256x128xf32, #tpu.memory_space<vmem>>, vector<16xf32>,
          %add3A_216 = arith.addf %while3A_196, %get3A_215 : vector<16xf32>
          %get3A_217 = arith.index_cast %while3A_192 : i32 to index
          %get3A_218 = arith.constant 64 : index
          %get3A_219 = tpu.vector_load %arg5[%get3A_217, %get3A_218] {strides = array<i32>} : memref<256x128xf32, #tpu.memory_space<vmem>>, vector<16xf32>,
          %add3A_220 = arith.addf %while3A_197, %get3A_219 : vector<16xf32>
          %get3A_221 = arith.index_cast %while3A_192 : i32 to index
          %get3A_222 = arith.constant 80 : index
          %get3A_223 = tpu.vector_load %arg5[%get3A_221, %get3A_222] {strides = array<i32>} : memref<256x128xf32, #tpu.memory_space<vmem>>, vector<16xf32>,
          %add3A_224 = arith.addf %while3A_198, %get3A_223 : vector<16xf32>
          %get3A_225 = arith.index_cast %while3A_192 : i32 to index
          %get3A_226 = arith.constant 96 : index
          %get3A_227 = tpu.vector_load %arg5[%get3A_225, %get3A_226] {strides = array<i32>} : memref<256x128xf32, #tpu.memory_space<vmem>>, vector<16xf32>,
          %add3A_228 = arith.addf %while3A_199, %get3A_227 : vector<16xf32>
          %get3A_229 = arith.index_cast %while3A_192 : i32 to index
          %get3A_230 = arith.constant 112 : index
          %get3A_231 = tpu.vector_load %arg5[%get3A_229, %get3A_230] {strides = array<i32>} : memref<256x128xf32, #tpu.memory_space<vmem>>, vector<16xf32>,
          %add3A_232 = arith.addf %while3A_200, %get3A_231 : vector<16xf32>
          scf.yield %add3A_204, %add3A_208, %add3A_212, %add3A_216, %add3A_220, %add3A_224, %add3A_228, %add3A_232 : vector<16xf32>, vector<16xf32>, vector<16xf32>, vector<16xf32>, vector<16xf32>, vector<16xf32>, vector<16xf32>, vector<16xf32>
        }
        %swap3A = arith.index_cast %while3A_113 : i32 to index
        %swap3A_151 = arith.constant 0 : index
        %swap3A_152 = tpu.vector_load %arg8[%swap3A, %swap3A_151] {strides = array<i32>} : memref<16x128xf32, #tpu.memory_space<vmem>>, vector<16xf32>,
        tpu.vector_store %arg8[%swap3A, %swap3A_151], %while3A_150#0 {strides = array<i32>} : memref<16x128xf32, #tpu.memory_space<vmem>>, vector<16xf32>,
        %swap3A_153 = arith.index_cast %while3A_113 : i32 to index
        %swap3A_154 = arith.constant 16 : index
        %swap3A_155 = tpu.vector_load %arg8[%swap3A_153, %swap3A_154] {strides = array<i32>} : memref<16x128xf32, #tpu.memory_space<vmem>>, vector<16xf32>,
        tpu.vector_store %arg8[%swap3A_153, %swap3A_154], %while3A_150#1 {strides = array<i32>} : memref<16x128xf32, #tpu.memory_space<vmem>>, vector<16xf32>,
        %swap3A_156 = arith.index_cast %while3A_113 : i32 to index
        %swap3A_157 = arith.constant 32 : index
        %swap3A_158 = tpu.vector_load %arg8[%swap3A_156, %swap3A_157] {strides = array<i32>} : memref<16x128xf32, #tpu.memory_space<vmem>>, vector<16xf32>,
        tpu.vector_store %arg8[%swap3A_156, %swap3A_157], %while3A_150#2 {strides = array<i32>} : memref<16x128xf32, #tpu.memory_space<vmem>>, vector<16xf32>,
        %swap3A_159 = arith.index_cast %while3A_113 : i32 to index
        %swap3A_160 = arith.constant 48 : index
        %swap3A_161 = tpu.vector_load %arg8[%swap3A_159, %swap3A_160] {strides = array<i32>} : memref<16x128xf32, #tpu.memory_space<vmem>>, vector<16xf32>,
        tpu.vector_store %arg8[%swap3A_159, %swap3A_160], %while3A_150#3 {strides = array<i32>} : memref<16x128xf32, #tpu.memory_space<vmem>>, vector<16xf32>,
        %swap3A_162 = arith.index_cast %while3A_113 : i32 to index
        %swap3A_163 = arith.constant 64 : index
        %swap3A_164 = tpu.vector_load %arg8[%swap3A_162, %swap3A_163] {strides = array<i32>} : memref<16x128xf32, #tpu.memory_space<vmem>>, vector<16xf32>,
        tpu.vector_store %arg8[%swap3A_162, %swap3A_163], %while3A_150#4 {strides = array<i32>} : memref<16x128xf32, #tpu.memory_space<vmem>>, vector<16xf32>,
        %swap3A_165 = arith.index_cast %while3A_113 : i32 to index
        %swap3A_166 = arith.constant 80 : index
        %swap3A_167 = tpu.vector_load %arg8[%swap3A_165, %swap3A_166] {strides = array<i32>} : memref<16x128xf32, #tpu.memory_space<vmem>>, vector<16xf32>,
        tpu.vector_store %arg8[%swap3A_165, %swap3A_166], %while3A_150#5 {strides = array<i32>} : memref<16x128xf32, #tpu.memory_space<vmem>>, vector<16xf32>,
        %swap3A_168 = arith.index_cast %while3A_113 : i32 to index
        %swap3A_169 = arith.constant 96 : index
        %swap3A_170 = tpu.vector_load %arg8[%swap3A_168, %swap3A_169] {strides = array<i32>} : memref<16x128xf32, #tpu.memory_space<vmem>>, vector<16xf32>,
        tpu.vector_store %arg8[%swap3A_168, %swap3A_169], %while3A_150#6 {strides = array<i32>} : memref<16x128xf32, #tpu.memory_space<vmem>>, vector<16xf32>,
        %swap3A_171 = arith.index_cast %while3A_113 : i32 to index
        %swap3A_172 = arith.constant 112 : index
        %swap3A_173 = tpu.vector_load %arg8[%swap3A_171, %swap3A_172] {strides = array<i32>} : memref<16x128xf32, #tpu.memory_space<vmem>>, vector<16xf32>,
        tpu.vector_store %arg8[%swap3A_171, %swap3A_172], %while3A_150#7 {strides = array<i32>} : memref<16x128xf32, #tpu.memory_space<vmem>>, vector<16xf32>,
        %le3A_174 = arith.cmpi sle, %while3A_114, %add3A_68 : i32
        %add3A_175 = arith.constant 1 : i32
        %add3A_176 = arith.addi %while3A_113, %add3A_175 : i32
        %select_n3A_177 = arith.select %le3A_174, %add3A_176, %while3A_113 : i32
        %eq3A_178 = vector.broadcast %select_n3A_177 : i32 to vector<16xi32>
        %eq3A_179 = arith.cmpi eq, %iota3A, %eq3A_178 : vector<16xi32>
        %jit3A_180 = arith.constant 0 : i32
        %broadcast_in_dim3A_181 = vector.broadcast %jit3A_180 : i32 to vector<16xi32>
        %select_n3A_182 = arith.select %eq3A_179, %masked_cumsum3A, %broadcast_in_dim3A_181 : vector<16xi1>, vector<16xi32>
        %reduce_max3A_183 = arith.constant true
        %reduce_max3A_184 = vector.broadcast %reduce_max3A_183 : i1 to vector<16xi1>
        %reduce_max3A_185 = arith.constant -2147483648 : i32
        %reduce_max3A_186 = vector.broadcast %reduce_max3A_185 : i32 to vector<16xi32>
        %reduce_max3A_187 = arith.xori %select_n3A_182, %reduce_max3A_186 : vector<16xi32>
        %reduce_max3A_188 = tpu.scan <max>, %reduce_max3A_187 masked %reduce_max3A_184 : vector<16xi32>, vector<16xi1> -> vector<16xi32>
        %reduce_max3A_189 = arith.xori %reduce_max3A_188, %reduce_max3A_186 : vector<16xi32>
        %reduce_max3A_190 = vector.extract %reduce_max3A_189[15] : i32 from vector<16xi32>
        %select_n3A_191 = arith.select %le3A_174, %reduce_max3A_190, %while3A_114 : i32
        scf.yield %min3A, %select_n3A_177, %select_n3A_191 : i32, i32, i32
      }
      %mul3A_70 = arith.constant 3 : i32
      %mul3A_71 = arith.muli %scan3A_49, %mul3A_70 : i32
      %add3A_72 = arith.constant 1 : i32
      %add3A_73 = arith.addi %mul3A_71, %add3A_72 : i32
      %add3A_74 = arith.constant 3 : i32
      %add3A_75 = arith.addi %add3A_73, %add3A_74 : i32
      %sub3A_76 = arith.constant 1 : i32
      %sub3A_77 = arith.subi %add3A_75, %sub3A_76 : i32
      %lt3A_78 = arith.constant 32 : i32
      %lt3A_79 = arith.cmpi slt, %sub3A_77, %lt3A_78 : i32
      %convert_element_type3A_80 = arith.extui %lt3A_79 : i1 to i32
      %cond3A_81 = arith.constant 0 : i32
      %cond3A_82 = arith.cmpi ne, %convert_element_type3A_80, %cond3A_81 : i32
      scf.if %cond3A_82 {
        %mul3A_112 = arith.constant 256 : i32
        %mul3A_113 = arith.muli %sub3A_77, %mul3A_112 : i32
        %add3A_114 = arith.addi %add3A_1, %mul3A_113 : i32
        %dma_start3A_115 = tpu.memref_slice %arg2[%add3A_114, %mul3A_3] : memref<32768x2048xf32, #tpu.memory_space<hbm>> -> memref<256x128xf32, #tpu.memory_space<hbm>>
        %dma_start3A_116 = tpu.memref_slice %arg2[%add3A_114, %mul3A_3] : memref<32768x2048xf32, #tpu.memory_space<hbm>> -> memref<256x128xf32, #tpu.memory_space<hbm>>
        tpu.enqueue_dma source(%dma_start3A_116 : memref<256x128xf32, #tpu.memory_space<hbm>>) target(%arg5 : memref<256x128xf32, #tpu.memory_space<vmem>>) target_semaphore(%arg10 : memref<!tpu.dma_semaphore, #tpu.memory_space<semaphore_mem>>)
      } else {
      }
      %dma_wait3A_83 = tpu.memref_slice %arg2[%add3A_1, %mul3A_3] : memref<32768x2048xf32, #tpu.memory_space<hbm>> -> memref<256x128xf32, #tpu.memory_space<hbm>>
      %dma_wait3A_84 = tpu.memref_slice %arg2[%add3A_1, %mul3A_3] : memref<32768x2048xf32, #tpu.memory_space<hbm>> -> memref<256x128xf32, #tpu.memory_space<hbm>>
      tpu.wait_dma2 semaphore(%arg11 : memref<!tpu.dma_semaphore, #tpu.memory_space<semaphore_mem>>) src(%dma_wait3A_84 : memref<256x128xf32, #tpu.memory_space<hbm>>) dst(%arg6 : memref<256x128xf32, #tpu.memory_space<vmem>>)
      %mul3A_85 = arith.constant 256 : i32
      %mul3A_86 = arith.muli %add3A_73, %mul3A_85 : i32
      %add3A_87 = arith.addi %add3A_1, %mul3A_86 : i32
      %add3A_88 = arith.constant 256 : i32
      %add3A_89 = arith.addi %add3A_87, %add3A_88 : i32
      %while3A_90:3 = scf.while (%while3A_112 = %add3A_87, %while3A_113 = %while3A_69#1, %while3A_114 = %while3A_69#2) : (i32, i32, i32) -> (i32, i32, i32) {
        %lt3A_115 = arith.cmpi slt, %while3A_112, %add3A_89 : i32
        scf.condition(%lt3A_115) %while3A_112, %while3A_113, %while3A_114 : i32, i32, i32
      } do {
      ^bb0(%while3A_112: i32, %while3A_113: i32, %while3A_114: i32):
        %min3A = arith.minsi %while3A_114, %add3A_89 : i32
        %get3A_115 = arith.index_cast %while3A_113 : i32 to index
        %get3A_116 = arith.constant 0 : index
        %get3A_117 = tpu.vector_load %arg8[%get3A_115, %get3A_116] {strides = array<i32>} : memref<16x128xf32, #tpu.memory_space<vmem>>, vector<16xf32>,
        %get3A_118 = arith.index_cast %while3A_113 : i32 to index
        %get3A_119 = arith.constant 16 : index
        %get3A_120 = tpu.vector_load %arg8[%get3A_118, %get3A_119] {strides = array<i32>} : memref<16x128xf32, #tpu.memory_space<vmem>>, vector<16xf32>,
        %get3A_121 = arith.index_cast %while3A_113 : i32 to index
        %get3A_122 = arith.constant 32 : index
        %get3A_123 = tpu.vector_load %arg8[%get3A_121, %get3A_122] {strides = array<i32>} : memref<16x128xf32, #tpu.memory_space<vmem>>, vector<16xf32>,
        %get3A_124 = arith.index_cast %while3A_113 : i32 to index
        %get3A_125 = arith.constant 48 : index
        %get3A_126 = tpu.vector_load %arg8[%get3A_124, %get3A_125] {strides = array<i32>} : memref<16x128xf32, #tpu.memory_space<vmem>>, vector<16xf32>,
        %get3A_127 = arith.index_cast %while3A_113 : i32 to index
        %get3A_128 = arith.constant 64 : index
        %get3A_129 = tpu.vector_load %arg8[%get3A_127, %get3A_128] {strides = array<i32>} : memref<16x128xf32, #tpu.memory_space<vmem>>, vector<16xf32>,
        %get3A_130 = arith.index_cast %while3A_113 : i32 to index
        %get3A_131 = arith.constant 80 : index
        %get3A_132 = tpu.vector_load %arg8[%get3A_130, %get3A_131] {strides = array<i32>} : memref<16x128xf32, #tpu.memory_space<vmem>>, vector<16xf32>,
        %get3A_133 = arith.index_cast %while3A_113 : i32 to index
        %get3A_134 = arith.constant 96 : index
        %get3A_135 = tpu.vector_load %arg8[%get3A_133, %get3A_134] {strides = array<i32>} : memref<16x128xf32, #tpu.memory_space<vmem>>, vector<16xf32>,
        %get3A_136 = arith.index_cast %while3A_113 : i32 to index
        %get3A_137 = arith.constant 112 : index
        %get3A_138 = tpu.vector_load %arg8[%get3A_136, %get3A_137] {strides = array<i32>} : memref<16x128xf32, #tpu.memory_space<vmem>>, vector<16xf32>,
        %sub3A_139 = arith.subi %while3A_112, %add3A_87 : i32
        %sub3A_140 = arith.subi %min3A, %add3A_87 : i32
        %while3A_141 = arith.subi %sub3A_140, %sub3A_139 : i32
        %while3A_142 = arith.addi %sub3A_139, %while3A_141 : i32
        %while3A_143 = arith.constant 1 : i32
        %while3A_144 = arith.divsi %while3A_141, %while3A_143 : i32
        %while3A_145 = arith.muli %while3A_144, %while3A_143 : i32
        %while3A_146 = arith.addi %sub3A_139, %while3A_145 : i32
        %while3A_147 = arith.constant 1 : i32
        %while3A_148:8 = scf.for %while3A_192 = %sub3A_139 to %while3A_146 step %while3A_147 iter_args(%while3A_193 = %get3A_117, %while3A_194 = %get3A_120, %while3A_195 = %get3A_123, %while3A_196 = %get3A_126, %while3A_197 = %get3A_129, %while3A_198 = %get3A_132, %while3A_199 = %get3A_135, %while3A_200 = %get3A_138) -> (vector<16xf32>, vector<16xf32>, vector<16xf32>, vector<16xf32>, vector<16xf32>, vector<16xf32>, vector<16xf32>, vector<16xf32>)  : i32 {
          %get3A_201 = arith.index_cast %while3A_192 : i32 to index
          %get3A_202 = arith.constant 0 : index
          %get3A_203 = tpu.vector_load %arg6[%get3A_201, %get3A_202] {strides = array<i32>} : memref<256x128xf32, #tpu.memory_space<vmem>>, vector<16xf32>,
          %add3A_204 = arith.addf %while3A_193, %get3A_203 : vector<16xf32>
          %get3A_205 = arith.index_cast %while3A_192 : i32 to index
          %get3A_206 = arith.constant 16 : index
          %get3A_207 = tpu.vector_load %arg6[%get3A_205, %get3A_206] {strides = array<i32>} : memref<256x128xf32, #tpu.memory_space<vmem>>, vector<16xf32>,
          %add3A_208 = arith.addf %while3A_194, %get3A_207 : vector<16xf32>
          %get3A_209 = arith.index_cast %while3A_192 : i32 to index
          %get3A_210 = arith.constant 32 : index
          %get3A_211 = tpu.vector_load %arg6[%get3A_209, %get3A_210] {strides = array<i32>} : memref<256x128xf32, #tpu.memory_space<vmem>>, vector<16xf32>,
          %add3A_212 = arith.addf %while3A_195, %get3A_211 : vector<16xf32>
          %get3A_213 = arith.index_cast %while3A_192 : i32 to index
          %get3A_214 = arith.constant 48 : index
          %get3A_215 = tpu.vector_load %arg6[%get3A_213, %get3A_214] {strides = array<i32>} : memref<256x128xf32, #tpu.memory_space<vmem>>, vector<16xf32>,
          %add3A_216 = arith.addf %while3A_196, %get3A_215 : vector<16xf32>
          %get3A_217 = arith.index_cast %while3A_192 : i32 to index
          %get3A_218 = arith.constant 64 : index
          %get3A_219 = tpu.vector_load %arg6[%get3A_217, %get3A_218] {strides = array<i32>} : memref<256x128xf32, #tpu.memory_space<vmem>>, vector<16xf32>,
          %add3A_220 = arith.addf %while3A_197, %get3A_219 : vector<16xf32>
          %get3A_221 = arith.index_cast %while3A_192 : i32 to index
          %get3A_222 = arith.constant 80 : index
          %get3A_223 = tpu.vector_load %arg6[%get3A_221, %get3A_222] {strides = array<i32>} : memref<256x128xf32, #tpu.memory_space<vmem>>, vector<16xf32>,
          %add3A_224 = arith.addf %while3A_198, %get3A_223 : vector<16xf32>
          %get3A_225 = arith.index_cast %while3A_192 : i32 to index
          %get3A_226 = arith.constant 96 : index
          %get3A_227 = tpu.vector_load %arg6[%get3A_225, %get3A_226] {strides = array<i32>} : memref<256x128xf32, #tpu.memory_space<vmem>>, vector<16xf32>,
          %add3A_228 = arith.addf %while3A_199, %get3A_227 : vector<16xf32>
          %get3A_229 = arith.index_cast %while3A_192 : i32 to index
          %get3A_230 = arith.constant 112 : index
          %get3A_231 = tpu.vector_load %arg6[%get3A_229, %get3A_230] {strides = array<i32>} : memref<256x128xf32, #tpu.memory_space<vmem>>, vector<16xf32>,
          %add3A_232 = arith.addf %while3A_200, %get3A_231 : vector<16xf32>
          scf.yield %add3A_204, %add3A_208, %add3A_212, %add3A_216, %add3A_220, %add3A_224, %add3A_228, %add3A_232 : vector<16xf32>, vector<16xf32>, vector<16xf32>, vector<16xf32>, vector<16xf32>, vector<16xf32>, vector<16xf32>, vector<16xf32>
        }
        %while3A_149 = arith.constant 1 : i32
        %while3A_150:8 = scf.for %while3A_192 = %while3A_146 to %while3A_142 step %while3A_149 iter_args(%while3A_193 = %while3A_148#0, %while3A_194 = %while3A_148#1, %while3A_195 = %while3A_148#2, %while3A_196 = %while3A_148#3, %while3A_197 = %while3A_148#4, %while3A_198 = %while3A_148#5, %while3A_199 = %while3A_148#6, %while3A_200 = %while3A_148#7) -> (vector<16xf32>, vector<16xf32>, vector<16xf32>, vector<16xf32>, vector<16xf32>, vector<16xf32>, vector<16xf32>, vector<16xf32>)  : i32 {
          %get3A_201 = arith.index_cast %while3A_192 : i32 to index
          %get3A_202 = arith.constant 0 : index
          %get3A_203 = tpu.vector_load %arg6[%get3A_201, %get3A_202] {strides = array<i32>} : memref<256x128xf32, #tpu.memory_space<vmem>>, vector<16xf32>,
          %add3A_204 = arith.addf %while3A_193, %get3A_203 : vector<16xf32>
          %get3A_205 = arith.index_cast %while3A_192 : i32 to index
          %get3A_206 = arith.constant 16 : index
          %get3A_207 = tpu.vector_load %arg6[%get3A_205, %get3A_206] {strides = array<i32>} : memref<256x128xf32, #tpu.memory_space<vmem>>, vector<16xf32>,
          %add3A_208 = arith.addf %while3A_194, %get3A_207 : vector<16xf32>
          %get3A_209 = arith.index_cast %while3A_192 : i32 to index
          %get3A_210 = arith.constant 32 : index
          %get3A_211 = tpu.vector_load %arg6[%get3A_209, %get3A_210] {strides = array<i32>} : memref<256x128xf32, #tpu.memory_space<vmem>>, vector<16xf32>,
          %add3A_212 = arith.addf %while3A_195, %get3A_211 : vector<16xf32>
          %get3A_213 = arith.index_cast %while3A_192 : i32 to index
          %get3A_214 = arith.constant 48 : index
          %get3A_215 = tpu.vector_load %arg6[%get3A_213, %get3A_214] {strides = array<i32>} : memref<256x128xf32, #tpu.memory_space<vmem>>, vector<16xf32>,
          %add3A_216 = arith.addf %while3A_196, %get3A_215 : vector<16xf32>
          %get3A_217 = arith.index_cast %while3A_192 : i32 to index
          %get3A_218 = arith.constant 64 : index
          %get3A_219 = tpu.vector_load %arg6[%get3A_217, %get3A_218] {strides = array<i32>} : memref<256x128xf32, #tpu.memory_space<vmem>>, vector<16xf32>,
          %add3A_220 = arith.addf %while3A_197, %get3A_219 : vector<16xf32>
          %get3A_221 = arith.index_cast %while3A_192 : i32 to index
          %get3A_222 = arith.constant 80 : index
          %get3A_223 = tpu.vector_load %arg6[%get3A_221, %get3A_222] {strides = array<i32>} : memref<256x128xf32, #tpu.memory_space<vmem>>, vector<16xf32>,
          %add3A_224 = arith.addf %while3A_198, %get3A_223 : vector<16xf32>
          %get3A_225 = arith.index_cast %while3A_192 : i32 to index
          %get3A_226 = arith.constant 96 : index
          %get3A_227 = tpu.vector_load %arg6[%get3A_225, %get3A_226] {strides = array<i32>} : memref<256x128xf32, #tpu.memory_space<vmem>>, vector<16xf32>,
          %add3A_228 = arith.addf %while3A_199, %get3A_227 : vector<16xf32>
          %get3A_229 = arith.index_cast %while3A_192 : i32 to index
          %get3A_230 = arith.constant 112 : index
          %get3A_231 = tpu.vector_load %arg6[%get3A_229, %get3A_230] {strides = array<i32>} : memref<256x128xf32, #tpu.memory_space<vmem>>, vector<16xf32>,
          %add3A_232 = arith.addf %while3A_200, %get3A_231 : vector<16xf32>
          scf.yield %add3A_204, %add3A_208, %add3A_212, %add3A_216, %add3A_220, %add3A_224, %add3A_228, %add3A_232 : vector<16xf32>, vector<16xf32>, vector<16xf32>, vector<16xf32>, vector<16xf32>, vector<16xf32>, vector<16xf32>, vector<16xf32>
        }
        %swap3A = arith.index_cast %while3A_113 : i32 to index
        %swap3A_151 = arith.constant 0 : index
        %swap3A_152 = tpu.vector_load %arg8[%swap3A, %swap3A_151] {strides = array<i32>} : memref<16x128xf32, #tpu.memory_space<vmem>>, vector<16xf32>,
        tpu.vector_store %arg8[%swap3A, %swap3A_151], %while3A_150#0 {strides = array<i32>} : memref<16x128xf32, #tpu.memory_space<vmem>>, vector<16xf32>,
        %swap3A_153 = arith.index_cast %while3A_113 : i32 to index
        %swap3A_154 = arith.constant 16 : index
        %swap3A_155 = tpu.vector_load %arg8[%swap3A_153, %swap3A_154] {strides = array<i32>} : memref<16x128xf32, #tpu.memory_space<vmem>>, vector<16xf32>,
        tpu.vector_store %arg8[%swap3A_153, %swap3A_154], %while3A_150#1 {strides = array<i32>} : memref<16x128xf32, #tpu.memory_space<vmem>>, vector<16xf32>,
        %swap3A_156 = arith.index_cast %while3A_113 : i32 to index
        %swap3A_157 = arith.constant 32 : index
        %swap3A_158 = tpu.vector_load %arg8[%swap3A_156, %swap3A_157] {strides = array<i32>} : memref<16x128xf32, #tpu.memory_space<vmem>>, vector<16xf32>,
        tpu.vector_store %arg8[%swap3A_156, %swap3A_157], %while3A_150#2 {strides = array<i32>} : memref<16x128xf32, #tpu.memory_space<vmem>>, vector<16xf32>,
        %swap3A_159 = arith.index_cast %while3A_113 : i32 to index
        %swap3A_160 = arith.constant 48 : index
        %swap3A_161 = tpu.vector_load %arg8[%swap3A_159, %swap3A_160] {strides = array<i32>} : memref<16x128xf32, #tpu.memory_space<vmem>>, vector<16xf32>,
        tpu.vector_store %arg8[%swap3A_159, %swap3A_160], %while3A_150#3 {strides = array<i32>} : memref<16x128xf32, #tpu.memory_space<vmem>>, vector<16xf32>,
        %swap3A_162 = arith.index_cast %while3A_113 : i32 to index
        %swap3A_163 = arith.constant 64 : index
        %swap3A_164 = tpu.vector_load %arg8[%swap3A_162, %swap3A_163] {strides = array<i32>} : memref<16x128xf32, #tpu.memory_space<vmem>>, vector<16xf32>,
        tpu.vector_store %arg8[%swap3A_162, %swap3A_163], %while3A_150#4 {strides = array<i32>} : memref<16x128xf32, #tpu.memory_space<vmem>>, vector<16xf32>,
        %swap3A_165 = arith.index_cast %while3A_113 : i32 to index
        %swap3A_166 = arith.constant 80 : index
        %swap3A_167 = tpu.vector_load %arg8[%swap3A_165, %swap3A_166] {strides = array<i32>} : memref<16x128xf32, #tpu.memory_space<vmem>>, vector<16xf32>,
        tpu.vector_store %arg8[%swap3A_165, %swap3A_166], %while3A_150#5 {strides = array<i32>} : memref<16x128xf32, #tpu.memory_space<vmem>>, vector<16xf32>,
        %swap3A_168 = arith.index_cast %while3A_113 : i32 to index
        %swap3A_169 = arith.constant 96 : index
        %swap3A_170 = tpu.vector_load %arg8[%swap3A_168, %swap3A_169] {strides = array<i32>} : memref<16x128xf32, #tpu.memory_space<vmem>>, vector<16xf32>,
        tpu.vector_store %arg8[%swap3A_168, %swap3A_169], %while3A_150#6 {strides = array<i32>} : memref<16x128xf32, #tpu.memory_space<vmem>>, vector<16xf32>,
        %swap3A_171 = arith.index_cast %while3A_113 : i32 to index
        %swap3A_172 = arith.constant 112 : index
        %swap3A_173 = tpu.vector_load %arg8[%swap3A_171, %swap3A_172] {strides = array<i32>} : memref<16x128xf32, #tpu.memory_space<vmem>>, vector<16xf32>,
        tpu.vector_store %arg8[%swap3A_171, %swap3A_172], %while3A_150#7 {strides = array<i32>} : memref<16x128xf32, #tpu.memory_space<vmem>>, vector<16xf32>,
        %le3A_174 = arith.cmpi sle, %while3A_114, %add3A_89 : i32
        %add3A_175 = arith.constant 1 : i32
        %add3A_176 = arith.addi %while3A_113, %add3A_175 : i32
        %select_n3A_177 = arith.select %le3A_174, %add3A_176, %while3A_113 : i32
        %eq3A_178 = vector.broadcast %select_n3A_177 : i32 to vector<16xi32>
        %eq3A_179 = arith.cmpi eq, %iota3A, %eq3A_178 : vector<16xi32>
        %jit3A_180 = arith.constant 0 : i32
        %broadcast_in_dim3A_181 = vector.broadcast %jit3A_180 : i32 to vector<16xi32>
        %select_n3A_182 = arith.select %eq3A_179, %masked_cumsum3A, %broadcast_in_dim3A_181 : vector<16xi1>, vector<16xi32>
        %reduce_max3A_183 = arith.constant true
        %reduce_max3A_184 = vector.broadcast %reduce_max3A_183 : i1 to vector<16xi1>
        %reduce_max3A_185 = arith.constant -2147483648 : i32
        %reduce_max3A_186 = vector.broadcast %reduce_max3A_185 : i32 to vector<16xi32>
        %reduce_max3A_187 = arith.xori %select_n3A_182, %reduce_max3A_186 : vector<16xi32>
        %reduce_max3A_188 = tpu.scan <max>, %reduce_max3A_187 masked %reduce_max3A_184 : vector<16xi32>, vector<16xi1> -> vector<16xi32>
        %reduce_max3A_189 = arith.xori %reduce_max3A_188, %reduce_max3A_186 : vector<16xi32>
        %reduce_max3A_190 = vector.extract %reduce_max3A_189[15] : i32 from vector<16xi32>
        %select_n3A_191 = arith.select %le3A_174, %reduce_max3A_190, %while3A_114 : i32
        scf.yield %min3A, %select_n3A_177, %select_n3A_191 : i32, i32, i32
      }
      %mul3A_91 = arith.constant 3 : i32
      %mul3A_92 = arith.muli %scan3A_49, %mul3A_91 : i32
      %add3A_93 = arith.constant 2 : i32
      %add3A_94 = arith.addi %mul3A_92, %add3A_93 : i32
      %add3A_95 = arith.constant 3 : i32
      %add3A_96 = arith.addi %add3A_94, %add3A_95 : i32
      %sub3A_97 = arith.constant 1 : i32
      %sub3A_98 = arith.subi %add3A_96, %sub3A_97 : i32
      %lt3A_99 = arith.constant 32 : i32
      %lt3A_100 = arith.cmpi slt, %sub3A_98, %lt3A_99 : i32
      %convert_element_type3A_101 = arith.extui %lt3A_100 : i1 to i32
      %cond3A_102 = arith.constant 0 : i32
      %cond3A_103 = arith.cmpi ne, %convert_element_type3A_101, %cond3A_102 : i32
      scf.if %cond3A_103 {
        %mul3A_112 = arith.constant 256 : i32
        %mul3A_113 = arith.muli %sub3A_98, %mul3A_112 : i32
        %add3A_114 = arith.addi %add3A_1, %mul3A_113 : i32
        %dma_start3A_115 = tpu.memref_slice %arg2[%add3A_114, %mul3A_3] : memref<32768x2048xf32, #tpu.memory_space<hbm>> -> memref<256x128xf32, #tpu.memory_space<hbm>>
        %dma_start3A_116 = tpu.memref_slice %arg2[%add3A_114, %mul3A_3] : memref<32768x2048xf32, #tpu.memory_space<hbm>> -> memref<256x128xf32, #tpu.memory_space<hbm>>
        tpu.enqueue_dma source(%dma_start3A_116 : memref<256x128xf32, #tpu.memory_space<hbm>>) target(%arg6 : memref<256x128xf32, #tpu.memory_space<vmem>>) target_semaphore(%arg11 : memref<!tpu.dma_semaphore, #tpu.memory_space<semaphore_mem>>)
      } else {
      }
      %dma_wait3A_104 = tpu.memref_slice %arg2[%add3A_1, %mul3A_3] : memref<32768x2048xf32, #tpu.memory_space<hbm>> -> memref<256x128xf32, #tpu.memory_space<hbm>>
      %dma_wait3A_105 = tpu.memref_slice %arg2[%add3A_1, %mul3A_3] : memref<32768x2048xf32, #tpu.memory_space<hbm>> -> memref<256x128xf32, #tpu.memory_space<hbm>>
      tpu.wait_dma2 semaphore(%arg12 : memref<!tpu.dma_semaphore, #tpu.memory_space<semaphore_mem>>) src(%dma_wait3A_105 : memref<256x128xf32, #tpu.memory_space<hbm>>) dst(%arg7 : memref<256x128xf32, #tpu.memory_space<vmem>>)
      %mul3A_106 = arith.constant 256 : i32
      %mul3A_107 = arith.muli %add3A_94, %mul3A_106 : i32
      %add3A_108 = arith.addi %add3A_1, %mul3A_107 : i32
      %add3A_109 = arith.constant 256 : i32
      %add3A_110 = arith.addi %add3A_108, %add3A_109 : i32
      %while3A_111:3 = scf.while (%while3A_112 = %add3A_108, %while3A_113 = %while3A_90#1, %while3A_114 = %while3A_90#2) : (i32, i32, i32) -> (i32, i32, i32) {
        %lt3A_115 = arith.cmpi slt, %while3A_112, %add3A_110 : i32
        scf.condition(%lt3A_115) %while3A_112, %while3A_113, %while3A_114 : i32, i32, i32
      } do {
      ^bb0(%while3A_112: i32, %while3A_113: i32, %while3A_114: i32):
        %min3A = arith.minsi %while3A_114, %add3A_110 : i32
        %get3A_115 = arith.index_cast %while3A_113 : i32 to index
        %get3A_116 = arith.constant 0 : index
        %get3A_117 = tpu.vector_load %arg8[%get3A_115, %get3A_116] {strides = array<i32>} : memref<16x128xf32, #tpu.memory_space<vmem>>, vector<16xf32>,
        %get3A_118 = arith.index_cast %while3A_113 : i32 to index
        %get3A_119 = arith.constant 16 : index
        %get3A_120 = tpu.vector_load %arg8[%get3A_118, %get3A_119] {strides = array<i32>} : memref<16x128xf32, #tpu.memory_space<vmem>>, vector<16xf32>,
        %get3A_121 = arith.index_cast %while3A_113 : i32 to index
        %get3A_122 = arith.constant 32 : index
        %get3A_123 = tpu.vector_load %arg8[%get3A_121, %get3A_122] {strides = array<i32>} : memref<16x128xf32, #tpu.memory_space<vmem>>, vector<16xf32>,
        %get3A_124 = arith.index_cast %while3A_113 : i32 to index
        %get3A_125 = arith.constant 48 : index
        %get3A_126 = tpu.vector_load %arg8[%get3A_124, %get3A_125] {strides = array<i32>} : memref<16x128xf32, #tpu.memory_space<vmem>>, vector<16xf32>,
        %get3A_127 = arith.index_cast %while3A_113 : i32 to index
        %get3A_128 = arith.constant 64 : index
        %get3A_129 = tpu.vector_load %arg8[%get3A_127, %get3A_128] {strides = array<i32>} : memref<16x128xf32, #tpu.memory_space<vmem>>, vector<16xf32>,
        %get3A_130 = arith.index_cast %while3A_113 : i32 to index
        %get3A_131 = arith.constant 80 : index
        %get3A_132 = tpu.vector_load %arg8[%get3A_130, %get3A_131] {strides = array<i32>} : memref<16x128xf32, #tpu.memory_space<vmem>>, vector<16xf32>,
        %get3A_133 = arith.index_cast %while3A_113 : i32 to index
        %get3A_134 = arith.constant 96 : index
        %get3A_135 = tpu.vector_load %arg8[%get3A_133, %get3A_134] {strides = array<i32>} : memref<16x128xf32, #tpu.memory_space<vmem>>, vector<16xf32>,
        %get3A_136 = arith.index_cast %while3A_113 : i32 to index
        %get3A_137 = arith.constant 112 : index
        %get3A_138 = tpu.vector_load %arg8[%get3A_136, %get3A_137] {strides = array<i32>} : memref<16x128xf32, #tpu.memory_space<vmem>>, vector<16xf32>,
        %sub3A_139 = arith.subi %while3A_112, %add3A_108 : i32
        %sub3A_140 = arith.subi %min3A, %add3A_108 : i32
        %while3A_141 = arith.subi %sub3A_140, %sub3A_139 : i32
        %while3A_142 = arith.addi %sub3A_139, %while3A_141 : i32
        %while3A_143 = arith.constant 1 : i32
        %while3A_144 = arith.divsi %while3A_141, %while3A_143 : i32
        %while3A_145 = arith.muli %while3A_144, %while3A_143 : i32
        %while3A_146 = arith.addi %sub3A_139, %while3A_145 : i32
        %while3A_147 = arith.constant 1 : i32
        %while3A_148:8 = scf.for %while3A_192 = %sub3A_139 to %while3A_146 step %while3A_147 iter_args(%while3A_193 = %get3A_117, %while3A_194 = %get3A_120, %while3A_195 = %get3A_123, %while3A_196 = %get3A_126, %while3A_197 = %get3A_129, %while3A_198 = %get3A_132, %while3A_199 = %get3A_135, %while3A_200 = %get3A_138) -> (vector<16xf32>, vector<16xf32>, vector<16xf32>, vector<16xf32>, vector<16xf32>, vector<16xf32>, vector<16xf32>, vector<16xf32>)  : i32 {
          %get3A_201 = arith.index_cast %while3A_192 : i32 to index
          %get3A_202 = arith.constant 0 : index
          %get3A_203 = tpu.vector_load %arg7[%get3A_201, %get3A_202] {strides = array<i32>} : memref<256x128xf32, #tpu.memory_space<vmem>>, vector<16xf32>,
          %add3A_204 = arith.addf %while3A_193, %get3A_203 : vector<16xf32>
          %get3A_205 = arith.index_cast %while3A_192 : i32 to index
          %get3A_206 = arith.constant 16 : index
          %get3A_207 = tpu.vector_load %arg7[%get3A_205, %get3A_206] {strides = array<i32>} : memref<256x128xf32, #tpu.memory_space<vmem>>, vector<16xf32>,
          %add3A_208 = arith.addf %while3A_194, %get3A_207 : vector<16xf32>
          %get3A_209 = arith.index_cast %while3A_192 : i32 to index
          %get3A_210 = arith.constant 32 : index
          %get3A_211 = tpu.vector_load %arg7[%get3A_209, %get3A_210] {strides = array<i32>} : memref<256x128xf32, #tpu.memory_space<vmem>>, vector<16xf32>,
          %add3A_212 = arith.addf %while3A_195, %get3A_211 : vector<16xf32>
          %get3A_213 = arith.index_cast %while3A_192 : i32 to index
          %get3A_214 = arith.constant 48 : index
          %get3A_215 = tpu.vector_load %arg7[%get3A_213, %get3A_214] {strides = array<i32>} : memref<256x128xf32, #tpu.memory_space<vmem>>, vector<16xf32>,
          %add3A_216 = arith.addf %while3A_196, %get3A_215 : vector<16xf32>
          %get3A_217 = arith.index_cast %while3A_192 : i32 to index
          %get3A_218 = arith.constant 64 : index
          %get3A_219 = tpu.vector_load %arg7[%get3A_217, %get3A_218] {strides = array<i32>} : memref<256x128xf32, #tpu.memory_space<vmem>>, vector<16xf32>,
          %add3A_220 = arith.addf %while3A_197, %get3A_219 : vector<16xf32>
          %get3A_221 = arith.index_cast %while3A_192 : i32 to index
          %get3A_222 = arith.constant 80 : index
          %get3A_223 = tpu.vector_load %arg7[%get3A_221, %get3A_222] {strides = array<i32>} : memref<256x128xf32, #tpu.memory_space<vmem>>, vector<16xf32>,
          %add3A_224 = arith.addf %while3A_198, %get3A_223 : vector<16xf32>
          %get3A_225 = arith.index_cast %while3A_192 : i32 to index
          %get3A_226 = arith.constant 96 : index
          %get3A_227 = tpu.vector_load %arg7[%get3A_225, %get3A_226] {strides = array<i32>} : memref<256x128xf32, #tpu.memory_space<vmem>>, vector<16xf32>,
          %add3A_228 = arith.addf %while3A_199, %get3A_227 : vector<16xf32>
          %get3A_229 = arith.index_cast %while3A_192 : i32 to index
          %get3A_230 = arith.constant 112 : index
          %get3A_231 = tpu.vector_load %arg7[%get3A_229, %get3A_230] {strides = array<i32>} : memref<256x128xf32, #tpu.memory_space<vmem>>, vector<16xf32>,
          %add3A_232 = arith.addf %while3A_200, %get3A_231 : vector<16xf32>
          scf.yield %add3A_204, %add3A_208, %add3A_212, %add3A_216, %add3A_220, %add3A_224, %add3A_228, %add3A_232 : vector<16xf32>, vector<16xf32>, vector<16xf32>, vector<16xf32>, vector<16xf32>, vector<16xf32>, vector<16xf32>, vector<16xf32>
        }
        %while3A_149 = arith.constant 1 : i32
        %while3A_150:8 = scf.for %while3A_192 = %while3A_146 to %while3A_142 step %while3A_149 iter_args(%while3A_193 = %while3A_148#0, %while3A_194 = %while3A_148#1, %while3A_195 = %while3A_148#2, %while3A_196 = %while3A_148#3, %while3A_197 = %while3A_148#4, %while3A_198 = %while3A_148#5, %while3A_199 = %while3A_148#6, %while3A_200 = %while3A_148#7) -> (vector<16xf32>, vector<16xf32>, vector<16xf32>, vector<16xf32>, vector<16xf32>, vector<16xf32>, vector<16xf32>, vector<16xf32>)  : i32 {
          %get3A_201 = arith.index_cast %while3A_192 : i32 to index
          %get3A_202 = arith.constant 0 : index
          %get3A_203 = tpu.vector_load %arg7[%get3A_201, %get3A_202] {strides = array<i32>} : memref<256x128xf32, #tpu.memory_space<vmem>>, vector<16xf32>,
          %add3A_204 = arith.addf %while3A_193, %get3A_203 : vector<16xf32>
          %get3A_205 = arith.index_cast %while3A_192 : i32 to index
          %get3A_206 = arith.constant 16 : index
          %get3A_207 = tpu.vector_load %arg7[%get3A_205, %get3A_206] {strides = array<i32>} : memref<256x128xf32, #tpu.memory_space<vmem>>, vector<16xf32>,
          %add3A_208 = arith.addf %while3A_194, %get3A_207 : vector<16xf32>
          %get3A_209 = arith.index_cast %while3A_192 : i32 to index
          %get3A_210 = arith.constant 32 : index
          %get3A_211 = tpu.vector_load %arg7[%get3A_209, %get3A_210] {strides = array<i32>} : memref<256x128xf32, #tpu.memory_space<vmem>>, vector<16xf32>,
          %add3A_212 = arith.addf %while3A_195, %get3A_211 : vector<16xf32>
          %get3A_213 = arith.index_cast %while3A_192 : i32 to index
          %get3A_214 = arith.constant 48 : index
          %get3A_215 = tpu.vector_load %arg7[%get3A_213, %get3A_214] {strides = array<i32>} : memref<256x128xf32, #tpu.memory_space<vmem>>, vector<16xf32>,
          %add3A_216 = arith.addf %while3A_196, %get3A_215 : vector<16xf32>
          %get3A_217 = arith.index_cast %while3A_192 : i32 to index
          %get3A_218 = arith.constant 64 : index
          %get3A_219 = tpu.vector_load %arg7[%get3A_217, %get3A_218] {strides = array<i32>} : memref<256x128xf32, #tpu.memory_space<vmem>>, vector<16xf32>,
          %add3A_220 = arith.addf %while3A_197, %get3A_219 : vector<16xf32>
          %get3A_221 = arith.index_cast %while3A_192 : i32 to index
          %get3A_222 = arith.constant 80 : index
          %get3A_223 = tpu.vector_load %arg7[%get3A_221, %get3A_222] {strides = array<i32>} : memref<256x128xf32, #tpu.memory_space<vmem>>, vector<16xf32>,
          %add3A_224 = arith.addf %while3A_198, %get3A_223 : vector<16xf32>
          %get3A_225 = arith.index_cast %while3A_192 : i32 to index
          %get3A_226 = arith.constant 96 : index
          %get3A_227 = tpu.vector_load %arg7[%get3A_225, %get3A_226] {strides = array<i32>} : memref<256x128xf32, #tpu.memory_space<vmem>>, vector<16xf32>,
          %add3A_228 = arith.addf %while3A_199, %get3A_227 : vector<16xf32>
          %get3A_229 = arith.index_cast %while3A_192 : i32 to index
          %get3A_230 = arith.constant 112 : index
          %get3A_231 = tpu.vector_load %arg7[%get3A_229, %get3A_230] {strides = array<i32>} : memref<256x128xf32, #tpu.memory_space<vmem>>, vector<16xf32>,
          %add3A_232 = arith.addf %while3A_200, %get3A_231 : vector<16xf32>
          scf.yield %add3A_204, %add3A_208, %add3A_212, %add3A_216, %add3A_220, %add3A_224, %add3A_228, %add3A_232 : vector<16xf32>, vector<16xf32>, vector<16xf32>, vector<16xf32>, vector<16xf32>, vector<16xf32>, vector<16xf32>, vector<16xf32>
        }
        %swap3A = arith.index_cast %while3A_113 : i32 to index
        %swap3A_151 = arith.constant 0 : index
        %swap3A_152 = tpu.vector_load %arg8[%swap3A, %swap3A_151] {strides = array<i32>} : memref<16x128xf32, #tpu.memory_space<vmem>>, vector<16xf32>,
        tpu.vector_store %arg8[%swap3A, %swap3A_151], %while3A_150#0 {strides = array<i32>} : memref<16x128xf32, #tpu.memory_space<vmem>>, vector<16xf32>,
        %swap3A_153 = arith.index_cast %while3A_113 : i32 to index
        %swap3A_154 = arith.constant 16 : index
        %swap3A_155 = tpu.vector_load %arg8[%swap3A_153, %swap3A_154] {strides = array<i32>} : memref<16x128xf32, #tpu.memory_space<vmem>>, vector<16xf32>,
        tpu.vector_store %arg8[%swap3A_153, %swap3A_154], %while3A_150#1 {strides = array<i32>} : memref<16x128xf32, #tpu.memory_space<vmem>>, vector<16xf32>,
        %swap3A_156 = arith.index_cast %while3A_113 : i32 to index
        %swap3A_157 = arith.constant 32 : index
        %swap3A_158 = tpu.vector_load %arg8[%swap3A_156, %swap3A_157] {strides = array<i32>} : memref<16x128xf32, #tpu.memory_space<vmem>>, vector<16xf32>,
        tpu.vector_store %arg8[%swap3A_156, %swap3A_157], %while3A_150#2 {strides = array<i32>} : memref<16x128xf32, #tpu.memory_space<vmem>>, vector<16xf32>,
        %swap3A_159 = arith.index_cast %while3A_113 : i32 to index
        %swap3A_160 = arith.constant 48 : index
        %swap3A_161 = tpu.vector_load %arg8[%swap3A_159, %swap3A_160] {strides = array<i32>} : memref<16x128xf32, #tpu.memory_space<vmem>>, vector<16xf32>,
        tpu.vector_store %arg8[%swap3A_159, %swap3A_160], %while3A_150#3 {strides = array<i32>} : memref<16x128xf32, #tpu.memory_space<vmem>>, vector<16xf32>,
        %swap3A_162 = arith.index_cast %while3A_113 : i32 to index
        %swap3A_163 = arith.constant 64 : index
        %swap3A_164 = tpu.vector_load %arg8[%swap3A_162, %swap3A_163] {strides = array<i32>} : memref<16x128xf32, #tpu.memory_space<vmem>>, vector<16xf32>,
        tpu.vector_store %arg8[%swap3A_162, %swap3A_163], %while3A_150#4 {strides = array<i32>} : memref<16x128xf32, #tpu.memory_space<vmem>>, vector<16xf32>,
        %swap3A_165 = arith.index_cast %while3A_113 : i32 to index
        %swap3A_166 = arith.constant 80 : index
        %swap3A_167 = tpu.vector_load %arg8[%swap3A_165, %swap3A_166] {strides = array<i32>} : memref<16x128xf32, #tpu.memory_space<vmem>>, vector<16xf32>,
        tpu.vector_store %arg8[%swap3A_165, %swap3A_166], %while3A_150#5 {strides = array<i32>} : memref<16x128xf32, #tpu.memory_space<vmem>>, vector<16xf32>,
        %swap3A_168 = arith.index_cast %while3A_113 : i32 to index
        %swap3A_169 = arith.constant 96 : index
        %swap3A_170 = tpu.vector_load %arg8[%swap3A_168, %swap3A_169] {strides = array<i32>} : memref<16x128xf32, #tpu.memory_space<vmem>>, vector<16xf32>,
        tpu.vector_store %arg8[%swap3A_168, %swap3A_169], %while3A_150#6 {strides = array<i32>} : memref<16x128xf32, #tpu.memory_space<vmem>>, vector<16xf32>,
        %swap3A_171 = arith.index_cast %while3A_113 : i32 to index
        %swap3A_172 = arith.constant 112 : index
        %swap3A_173 = tpu.vector_load %arg8[%swap3A_171, %swap3A_172] {strides = array<i32>} : memref<16x128xf32, #tpu.memory_space<vmem>>, vector<16xf32>,
        tpu.vector_store %arg8[%swap3A_171, %swap3A_172], %while3A_150#7 {strides = array<i32>} : memref<16x128xf32, #tpu.memory_space<vmem>>, vector<16xf32>,
        %le3A_174 = arith.cmpi sle, %while3A_114, %add3A_110 : i32
        %add3A_175 = arith.constant 1 : i32
        %add3A_176 = arith.addi %while3A_113, %add3A_175 : i32
        %select_n3A_177 = arith.select %le3A_174, %add3A_176, %while3A_113 : i32
        %eq3A_178 = vector.broadcast %select_n3A_177 : i32 to vector<16xi32>
        %eq3A_179 = arith.cmpi eq, %iota3A, %eq3A_178 : vector<16xi32>
        %jit3A_180 = arith.constant 0 : i32
        %broadcast_in_dim3A_181 = vector.broadcast %jit3A_180 : i32 to vector<16xi32>
        %select_n3A_182 = arith.select %eq3A_179, %masked_cumsum3A, %broadcast_in_dim3A_181 : vector<16xi1>, vector<16xi32>
        %reduce_max3A_183 = arith.constant true
        %reduce_max3A_184 = vector.broadcast %reduce_max3A_183 : i1 to vector<16xi1>
        %reduce_max3A_185 = arith.constant -2147483648 : i32
        %reduce_max3A_186 = vector.broadcast %reduce_max3A_185 : i32 to vector<16xi32>
        %reduce_max3A_187 = arith.xori %select_n3A_182, %reduce_max3A_186 : vector<16xi32>
        %reduce_max3A_188 = tpu.scan <max>, %reduce_max3A_187 masked %reduce_max3A_184 : vector<16xi32>, vector<16xi1> -> vector<16xi32>
        %reduce_max3A_189 = arith.xori %reduce_max3A_188, %reduce_max3A_186 : vector<16xi32>
        %reduce_max3A_190 = vector.extract %reduce_max3A_189[15] : i32 from vector<16xi32>
        %select_n3A_191 = arith.select %le3A_174, %reduce_max3A_190, %while3A_114 : i32
        scf.yield %min3A, %select_n3A_177, %select_n3A_191 : i32, i32, i32
      }
      scf.yield %while3A_111#1, %while3A_111#2 : i32, i32
    }
    %scan3A_36 = arith.constant 10 : i32
    %dma_wait3A = tpu.memref_slice %arg2[%add3A_1, %mul3A_3] : memref<32768x2048xf32, #tpu.memory_space<hbm>> -> memref<256x128xf32, #tpu.memory_space<hbm>>
    %dma_wait3A_37 = tpu.memref_slice %arg2[%add3A_1, %mul3A_3] : memref<32768x2048xf32, #tpu.memory_space<hbm>> -> memref<256x128xf32, #tpu.memory_space<hbm>>
    tpu.wait_dma2 semaphore(%arg10 : memref<!tpu.dma_semaphore, #tpu.memory_space<semaphore_mem>>) src(%dma_wait3A_37 : memref<256x128xf32, #tpu.memory_space<hbm>>) dst(%arg5 : memref<256x128xf32, #tpu.memory_space<vmem>>)
    %add3A_38 = arith.constant 7680 : i32
    %add3A_39 = arith.addi %add3A_1, %add3A_38 : i32
    %add3A_40 = arith.constant 256 : i32
    %add3A_41 = arith.addi %add3A_39, %add3A_40 : i32
    %while3A:3 = scf.while (%while3A_49 = %add3A_39, %while3A_50 = %scan3A_35#0, %while3A_51 = %scan3A_35#1) : (i32, i32, i32) -> (i32, i32, i32) {
      %lt3A = arith.cmpi slt, %while3A_49, %add3A_41 : i32
      scf.condition(%lt3A) %while3A_49, %while3A_50, %while3A_51 : i32, i32, i32
    } do {
    ^bb0(%while3A_49: i32, %while3A_50: i32, %while3A_51: i32):
      %min3A = arith.minsi %while3A_51, %add3A_41 : i32
      %get3A_52 = arith.index_cast %while3A_50 : i32 to index
      %get3A_53 = arith.constant 0 : index
      %get3A_54 = tpu.vector_load %arg8[%get3A_52, %get3A_53] {strides = array<i32>} : memref<16x128xf32, #tpu.memory_space<vmem>>, vector<16xf32>,
      %get3A_55 = arith.index_cast %while3A_50 : i32 to index
      %get3A_56 = arith.constant 16 : index
      %get3A_57 = tpu.vector_load %arg8[%get3A_55, %get3A_56] {strides = array<i32>} : memref<16x128xf32, #tpu.memory_space<vmem>>, vector<16xf32>,
      %get3A_58 = arith.index_cast %while3A_50 : i32 to index
      %get3A_59 = arith.constant 32 : index
      %get3A_60 = tpu.vector_load %arg8[%get3A_58, %get3A_59] {strides = array<i32>} : memref<16x128xf32, #tpu.memory_space<vmem>>, vector<16xf32>,
      %get3A_61 = arith.index_cast %while3A_50 : i32 to index
      %get3A_62 = arith.constant 48 : index
      %get3A_63 = tpu.vector_load %arg8[%get3A_61, %get3A_62] {strides = array<i32>} : memref<16x128xf32, #tpu.memory_space<vmem>>, vector<16xf32>,
      %get3A_64 = arith.index_cast %while3A_50 : i32 to index
      %get3A_65 = arith.constant 64 : index
      %get3A_66 = tpu.vector_load %arg8[%get3A_64, %get3A_65] {strides = array<i32>} : memref<16x128xf32, #tpu.memory_space<vmem>>, vector<16xf32>,
      %get3A_67 = arith.index_cast %while3A_50 : i32 to index
      %get3A_68 = arith.constant 80 : index
      %get3A_69 = tpu.vector_load %arg8[%get3A_67, %get3A_68] {strides = array<i32>} : memref<16x128xf32, #tpu.memory_space<vmem>>, vector<16xf32>,
      %get3A_70 = arith.index_cast %while3A_50 : i32 to index
      %get3A_71 = arith.constant 96 : index
      %get3A_72 = tpu.vector_load %arg8[%get3A_70, %get3A_71] {strides = array<i32>} : memref<16x128xf32, #tpu.memory_space<vmem>>, vector<16xf32>,
      %get3A_73 = arith.index_cast %while3A_50 : i32 to index
      %get3A_74 = arith.constant 112 : index
      %get3A_75 = tpu.vector_load %arg8[%get3A_73, %get3A_74] {strides = array<i32>} : memref<16x128xf32, #tpu.memory_space<vmem>>, vector<16xf32>,
      %sub3A = arith.subi %while3A_49, %add3A_39 : i32
      %sub3A_76 = arith.subi %min3A, %add3A_39 : i32
      %while3A_77 = arith.subi %sub3A_76, %sub3A : i32
      %while3A_78 = arith.addi %sub3A, %while3A_77 : i32
      %while3A_79 = arith.constant 1 : i32
      %while3A_80 = arith.divsi %while3A_77, %while3A_79 : i32
      %while3A_81 = arith.muli %while3A_80, %while3A_79 : i32
      %while3A_82 = arith.addi %sub3A, %while3A_81 : i32
      %while3A_83 = arith.constant 1 : i32
      %while3A_84:8 = scf.for %while3A_128 = %sub3A to %while3A_82 step %while3A_83 iter_args(%while3A_129 = %get3A_54, %while3A_130 = %get3A_57, %while3A_131 = %get3A_60, %while3A_132 = %get3A_63, %while3A_133 = %get3A_66, %while3A_134 = %get3A_69, %while3A_135 = %get3A_72, %while3A_136 = %get3A_75) -> (vector<16xf32>, vector<16xf32>, vector<16xf32>, vector<16xf32>, vector<16xf32>, vector<16xf32>, vector<16xf32>, vector<16xf32>)  : i32 {
        %get3A_137 = arith.index_cast %while3A_128 : i32 to index
        %get3A_138 = arith.constant 0 : index
        %get3A_139 = tpu.vector_load %arg5[%get3A_137, %get3A_138] {strides = array<i32>} : memref<256x128xf32, #tpu.memory_space<vmem>>, vector<16xf32>,
        %add3A_140 = arith.addf %while3A_129, %get3A_139 : vector<16xf32>
        %get3A_141 = arith.index_cast %while3A_128 : i32 to index
        %get3A_142 = arith.constant 16 : index
        %get3A_143 = tpu.vector_load %arg5[%get3A_141, %get3A_142] {strides = array<i32>} : memref<256x128xf32, #tpu.memory_space<vmem>>, vector<16xf32>,
        %add3A_144 = arith.addf %while3A_130, %get3A_143 : vector<16xf32>
        %get3A_145 = arith.index_cast %while3A_128 : i32 to index
        %get3A_146 = arith.constant 32 : index
        %get3A_147 = tpu.vector_load %arg5[%get3A_145, %get3A_146] {strides = array<i32>} : memref<256x128xf32, #tpu.memory_space<vmem>>, vector<16xf32>,
        %add3A_148 = arith.addf %while3A_131, %get3A_147 : vector<16xf32>
        %get3A_149 = arith.index_cast %while3A_128 : i32 to index
        %get3A_150 = arith.constant 48 : index
        %get3A_151 = tpu.vector_load %arg5[%get3A_149, %get3A_150] {strides = array<i32>} : memref<256x128xf32, #tpu.memory_space<vmem>>, vector<16xf32>,
        %add3A_152 = arith.addf %while3A_132, %get3A_151 : vector<16xf32>
        %get3A_153 = arith.index_cast %while3A_128 : i32 to index
        %get3A_154 = arith.constant 64 : index
        %get3A_155 = tpu.vector_load %arg5[%get3A_153, %get3A_154] {strides = array<i32>} : memref<256x128xf32, #tpu.memory_space<vmem>>, vector<16xf32>,
        %add3A_156 = arith.addf %while3A_133, %get3A_155 : vector<16xf32>
        %get3A_157 = arith.index_cast %while3A_128 : i32 to index
        %get3A_158 = arith.constant 80 : index
        %get3A_159 = tpu.vector_load %arg5[%get3A_157, %get3A_158] {strides = array<i32>} : memref<256x128xf32, #tpu.memory_space<vmem>>, vector<16xf32>,
        %add3A_160 = arith.addf %while3A_134, %get3A_159 : vector<16xf32>
        %get3A_161 = arith.index_cast %while3A_128 : i32 to index
        %get3A_162 = arith.constant 96 : index
        %get3A_163 = tpu.vector_load %arg5[%get3A_161, %get3A_162] {strides = array<i32>} : memref<256x128xf32, #tpu.memory_space<vmem>>, vector<16xf32>,
        %add3A_164 = arith.addf %while3A_135, %get3A_163 : vector<16xf32>
        %get3A_165 = arith.index_cast %while3A_128 : i32 to index
        %get3A_166 = arith.constant 112 : index
        %get3A_167 = tpu.vector_load %arg5[%get3A_165, %get3A_166] {strides = array<i32>} : memref<256x128xf32, #tpu.memory_space<vmem>>, vector<16xf32>,
        %add3A_168 = arith.addf %while3A_136, %get3A_167 : vector<16xf32>
        scf.yield %add3A_140, %add3A_144, %add3A_148, %add3A_152, %add3A_156, %add3A_160, %add3A_164, %add3A_168 : vector<16xf32>, vector<16xf32>, vector<16xf32>, vector<16xf32>, vector<16xf32>, vector<16xf32>, vector<16xf32>, vector<16xf32>
      }
      %while3A_85 = arith.constant 1 : i32
      %while3A_86:8 = scf.for %while3A_128 = %while3A_82 to %while3A_78 step %while3A_85 iter_args(%while3A_129 = %while3A_84#0, %while3A_130 = %while3A_84#1, %while3A_131 = %while3A_84#2, %while3A_132 = %while3A_84#3, %while3A_133 = %while3A_84#4, %while3A_134 = %while3A_84#5, %while3A_135 = %while3A_84#6, %while3A_136 = %while3A_84#7) -> (vector<16xf32>, vector<16xf32>, vector<16xf32>, vector<16xf32>, vector<16xf32>, vector<16xf32>, vector<16xf32>, vector<16xf32>)  : i32 {
        %get3A_137 = arith.index_cast %while3A_128 : i32 to index
        %get3A_138 = arith.constant 0 : index
        %get3A_139 = tpu.vector_load %arg5[%get3A_137, %get3A_138] {strides = array<i32>} : memref<256x128xf32, #tpu.memory_space<vmem>>, vector<16xf32>,
        %add3A_140 = arith.addf %while3A_129, %get3A_139 : vector<16xf32>
        %get3A_141 = arith.index_cast %while3A_128 : i32 to index
        %get3A_142 = arith.constant 16 : index
        %get3A_143 = tpu.vector_load %arg5[%get3A_141, %get3A_142] {strides = array<i32>} : memref<256x128xf32, #tpu.memory_space<vmem>>, vector<16xf32>,
        %add3A_144 = arith.addf %while3A_130, %get3A_143 : vector<16xf32>
        %get3A_145 = arith.index_cast %while3A_128 : i32 to index
        %get3A_146 = arith.constant 32 : index
        %get3A_147 = tpu.vector_load %arg5[%get3A_145, %get3A_146] {strides = array<i32>} : memref<256x128xf32, #tpu.memory_space<vmem>>, vector<16xf32>,
        %add3A_148 = arith.addf %while3A_131, %get3A_147 : vector<16xf32>
        %get3A_149 = arith.index_cast %while3A_128 : i32 to index
        %get3A_150 = arith.constant 48 : index
        %get3A_151 = tpu.vector_load %arg5[%get3A_149, %get3A_150] {strides = array<i32>} : memref<256x128xf32, #tpu.memory_space<vmem>>, vector<16xf32>,
        %add3A_152 = arith.addf %while3A_132, %get3A_151 : vector<16xf32>
        %get3A_153 = arith.index_cast %while3A_128 : i32 to index
        %get3A_154 = arith.constant 64 : index
        %get3A_155 = tpu.vector_load %arg5[%get3A_153, %get3A_154] {strides = array<i32>} : memref<256x128xf32, #tpu.memory_space<vmem>>, vector<16xf32>,
        %add3A_156 = arith.addf %while3A_133, %get3A_155 : vector<16xf32>
        %get3A_157 = arith.index_cast %while3A_128 : i32 to index
        %get3A_158 = arith.constant 80 : index
        %get3A_159 = tpu.vector_load %arg5[%get3A_157, %get3A_158] {strides = array<i32>} : memref<256x128xf32, #tpu.memory_space<vmem>>, vector<16xf32>,
        %add3A_160 = arith.addf %while3A_134, %get3A_159 : vector<16xf32>
        %get3A_161 = arith.index_cast %while3A_128 : i32 to index
        %get3A_162 = arith.constant 96 : index
        %get3A_163 = tpu.vector_load %arg5[%get3A_161, %get3A_162] {strides = array<i32>} : memref<256x128xf32, #tpu.memory_space<vmem>>, vector<16xf32>,
        %add3A_164 = arith.addf %while3A_135, %get3A_163 : vector<16xf32>
        %get3A_165 = arith.index_cast %while3A_128 : i32 to index
        %get3A_166 = arith.constant 112 : index
        %get3A_167 = tpu.vector_load %arg5[%get3A_165, %get3A_166] {strides = array<i32>} : memref<256x128xf32, #tpu.memory_space<vmem>>, vector<16xf32>,
        %add3A_168 = arith.addf %while3A_136, %get3A_167 : vector<16xf32>
        scf.yield %add3A_140, %add3A_144, %add3A_148, %add3A_152, %add3A_156, %add3A_160, %add3A_164, %add3A_168 : vector<16xf32>, vector<16xf32>, vector<16xf32>, vector<16xf32>, vector<16xf32>, vector<16xf32>, vector<16xf32>, vector<16xf32>
      }
      %swap3A = arith.index_cast %while3A_50 : i32 to index
      %swap3A_87 = arith.constant 0 : index
      %swap3A_88 = tpu.vector_load %arg8[%swap3A, %swap3A_87] {strides = array<i32>} : memref<16x128xf32, #tpu.memory_space<vmem>>, vector<16xf32>,
      tpu.vector_store %arg8[%swap3A, %swap3A_87], %while3A_86#0 {strides = array<i32>} : memref<16x128xf32, #tpu.memory_space<vmem>>, vector<16xf32>,
      %swap3A_89 = arith.index_cast %while3A_50 : i32 to index
      %swap3A_90 = arith.constant 16 : index
      %swap3A_91 = tpu.vector_load %arg8[%swap3A_89, %swap3A_90] {strides = array<i32>} : memref<16x128xf32, #tpu.memory_space<vmem>>, vector<16xf32>,
      tpu.vector_store %arg8[%swap3A_89, %swap3A_90], %while3A_86#1 {strides = array<i32>} : memref<16x128xf32, #tpu.memory_space<vmem>>, vector<16xf32>,
      %swap3A_92 = arith.index_cast %while3A_50 : i32 to index
      %swap3A_93 = arith.constant 32 : index
      %swap3A_94 = tpu.vector_load %arg8[%swap3A_92, %swap3A_93] {strides = array<i32>} : memref<16x128xf32, #tpu.memory_space<vmem>>, vector<16xf32>,
      tpu.vector_store %arg8[%swap3A_92, %swap3A_93], %while3A_86#2 {strides = array<i32>} : memref<16x128xf32, #tpu.memory_space<vmem>>, vector<16xf32>,
      %swap3A_95 = arith.index_cast %while3A_50 : i32 to index
      %swap3A_96 = arith.constant 48 : index
      %swap3A_97 = tpu.vector_load %arg8[%swap3A_95, %swap3A_96] {strides = array<i32>} : memref<16x128xf32, #tpu.memory_space<vmem>>, vector<16xf32>,
      tpu.vector_store %arg8[%swap3A_95, %swap3A_96], %while3A_86#3 {strides = array<i32>} : memref<16x128xf32, #tpu.memory_space<vmem>>, vector<16xf32>,
      %swap3A_98 = arith.index_cast %while3A_50 : i32 to index
      %swap3A_99 = arith.constant 64 : index
      %swap3A_100 = tpu.vector_load %arg8[%swap3A_98, %swap3A_99] {strides = array<i32>} : memref<16x128xf32, #tpu.memory_space<vmem>>, vector<16xf32>,
      tpu.vector_store %arg8[%swap3A_98, %swap3A_99], %while3A_86#4 {strides = array<i32>} : memref<16x128xf32, #tpu.memory_space<vmem>>, vector<16xf32>,
      %swap3A_101 = arith.index_cast %while3A_50 : i32 to index
      %swap3A_102 = arith.constant 80 : index
      %swap3A_103 = tpu.vector_load %arg8[%swap3A_101, %swap3A_102] {strides = array<i32>} : memref<16x128xf32, #tpu.memory_space<vmem>>, vector<16xf32>,
      tpu.vector_store %arg8[%swap3A_101, %swap3A_102], %while3A_86#5 {strides = array<i32>} : memref<16x128xf32, #tpu.memory_space<vmem>>, vector<16xf32>,
      %swap3A_104 = arith.index_cast %while3A_50 : i32 to index
      %swap3A_105 = arith.constant 96 : index
      %swap3A_106 = tpu.vector_load %arg8[%swap3A_104, %swap3A_105] {strides = array<i32>} : memref<16x128xf32, #tpu.memory_space<vmem>>, vector<16xf32>,
      tpu.vector_store %arg8[%swap3A_104, %swap3A_105], %while3A_86#6 {strides = array<i32>} : memref<16x128xf32, #tpu.memory_space<vmem>>, vector<16xf32>,
      %swap3A_107 = arith.index_cast %while3A_50 : i32 to index
      %swap3A_108 = arith.constant 112 : index
      %swap3A_109 = tpu.vector_load %arg8[%swap3A_107, %swap3A_108] {strides = array<i32>} : memref<16x128xf32, #tpu.memory_space<vmem>>, vector<16xf32>,
      tpu.vector_store %arg8[%swap3A_107, %swap3A_108], %while3A_86#7 {strides = array<i32>} : memref<16x128xf32, #tpu.memory_space<vmem>>, vector<16xf32>,
      %le3A_110 = arith.cmpi sle, %while3A_51, %add3A_41 : i32
      %add3A_111 = arith.constant 1 : i32
      %add3A_112 = arith.addi %while3A_50, %add3A_111 : i32
      %select_n3A_113 = arith.select %le3A_110, %add3A_112, %while3A_50 : i32
      %eq3A_114 = vector.broadcast %select_n3A_113 : i32 to vector<16xi32>
      %eq3A_115 = arith.cmpi eq, %iota3A, %eq3A_114 : vector<16xi32>
      %jit3A_116 = arith.constant 0 : i32
      %broadcast_in_dim3A_117 = vector.broadcast %jit3A_116 : i32 to vector<16xi32>
      %select_n3A_118 = arith.select %eq3A_115, %masked_cumsum3A, %broadcast_in_dim3A_117 : vector<16xi1>, vector<16xi32>
      %reduce_max3A_119 = arith.constant true
      %reduce_max3A_120 = vector.broadcast %reduce_max3A_119 : i1 to vector<16xi1>
      %reduce_max3A_121 = arith.constant -2147483648 : i32
      %reduce_max3A_122 = vector.broadcast %reduce_max3A_121 : i32 to vector<16xi32>
      %reduce_max3A_123 = arith.xori %select_n3A_118, %reduce_max3A_122 : vector<16xi32>
      %reduce_max3A_124 = tpu.scan <max>, %reduce_max3A_123 masked %reduce_max3A_120 : vector<16xi32>, vector<16xi1> -> vector<16xi32>
      %reduce_max3A_125 = arith.xori %reduce_max3A_124, %reduce_max3A_122 : vector<16xi32>
      %reduce_max3A_126 = vector.extract %reduce_max3A_125[15] : i32 from vector<16xi32>
      %select_n3A_127 = arith.select %le3A_110, %reduce_max3A_126, %while3A_51 : i32
      scf.yield %min3A, %select_n3A_113, %select_n3A_127 : i32, i32, i32
    }
    %dma_wait3A_42 = tpu.memref_slice %arg2[%add3A_1, %mul3A_3] : memref<32768x2048xf32, #tpu.memory_space<hbm>> -> memref<256x128xf32, #tpu.memory_space<hbm>>
    %dma_wait3A_43 = tpu.memref_slice %arg2[%add3A_1, %mul3A_3] : memref<32768x2048xf32, #tpu.memory_space<hbm>> -> memref<256x128xf32, #tpu.memory_space<hbm>>
    tpu.wait_dma2 semaphore(%arg11 : memref<!tpu.dma_semaphore, #tpu.memory_space<semaphore_mem>>) src(%dma_wait3A_43 : memref<256x128xf32, #tpu.memory_space<hbm>>) dst(%arg6 : memref<256x128xf32, #tpu.memory_space<vmem>>)
    %add3A_44 = arith.constant 7936 : i32
    %add3A_45 = arith.addi %add3A_1, %add3A_44 : i32
    %add3A_46 = arith.constant 256 : i32
    %add3A_47 = arith.addi %add3A_45, %add3A_46 : i32
    %while3A_48:3 = scf.while (%while3A_49 = %add3A_45, %while3A_50 = %while3A#1, %while3A_51 = %while3A#2) : (i32, i32, i32) -> (i32, i32, i32) {
      %lt3A = arith.cmpi slt, %while3A_49, %add3A_47 : i32
      scf.condition(%lt3A) %while3A_49, %while3A_50, %while3A_51 : i32, i32, i32
    } do {
    ^bb0(%while3A_49: i32, %while3A_50: i32, %while3A_51: i32):
      %min3A = arith.minsi %while3A_51, %add3A_47 : i32
      %get3A_52 = arith.index_cast %while3A_50 : i32 to index
      %get3A_53 = arith.constant 0 : index
      %get3A_54 = tpu.vector_load %arg8[%get3A_52, %get3A_53] {strides = array<i32>} : memref<16x128xf32, #tpu.memory_space<vmem>>, vector<16xf32>,
      %get3A_55 = arith.index_cast %while3A_50 : i32 to index
      %get3A_56 = arith.constant 16 : index
      %get3A_57 = tpu.vector_load %arg8[%get3A_55, %get3A_56] {strides = array<i32>} : memref<16x128xf32, #tpu.memory_space<vmem>>, vector<16xf32>,
      %get3A_58 = arith.index_cast %while3A_50 : i32 to index
      %get3A_59 = arith.constant 32 : index
      %get3A_60 = tpu.vector_load %arg8[%get3A_58, %get3A_59] {strides = array<i32>} : memref<16x128xf32, #tpu.memory_space<vmem>>, vector<16xf32>,
      %get3A_61 = arith.index_cast %while3A_50 : i32 to index
      %get3A_62 = arith.constant 48 : index
      %get3A_63 = tpu.vector_load %arg8[%get3A_61, %get3A_62] {strides = array<i32>} : memref<16x128xf32, #tpu.memory_space<vmem>>, vector<16xf32>,
      %get3A_64 = arith.index_cast %while3A_50 : i32 to index
      %get3A_65 = arith.constant 64 : index
      %get3A_66 = tpu.vector_load %arg8[%get3A_64, %get3A_65] {strides = array<i32>} : memref<16x128xf32, #tpu.memory_space<vmem>>, vector<16xf32>,
      %get3A_67 = arith.index_cast %while3A_50 : i32 to index
      %get3A_68 = arith.constant 80 : index
      %get3A_69 = tpu.vector_load %arg8[%get3A_67, %get3A_68] {strides = array<i32>} : memref<16x128xf32, #tpu.memory_space<vmem>>, vector<16xf32>,
      %get3A_70 = arith.index_cast %while3A_50 : i32 to index
      %get3A_71 = arith.constant 96 : index
      %get3A_72 = tpu.vector_load %arg8[%get3A_70, %get3A_71] {strides = array<i32>} : memref<16x128xf32, #tpu.memory_space<vmem>>, vector<16xf32>,
      %get3A_73 = arith.index_cast %while3A_50 : i32 to index
      %get3A_74 = arith.constant 112 : index
      %get3A_75 = tpu.vector_load %arg8[%get3A_73, %get3A_74] {strides = array<i32>} : memref<16x128xf32, #tpu.memory_space<vmem>>, vector<16xf32>,
      %sub3A = arith.subi %while3A_49, %add3A_45 : i32
      %sub3A_76 = arith.subi %min3A, %add3A_45 : i32
      %while3A_77 = arith.subi %sub3A_76, %sub3A : i32
      %while3A_78 = arith.addi %sub3A, %while3A_77 : i32
      %while3A_79 = arith.constant 1 : i32
      %while3A_80 = arith.divsi %while3A_77, %while3A_79 : i32
      %while3A_81 = arith.muli %while3A_80, %while3A_79 : i32
      %while3A_82 = arith.addi %sub3A, %while3A_81 : i32
      %while3A_83 = arith.constant 1 : i32
      %while3A_84:8 = scf.for %while3A_128 = %sub3A to %while3A_82 step %while3A_83 iter_args(%while3A_129 = %get3A_54, %while3A_130 = %get3A_57, %while3A_131 = %get3A_60, %while3A_132 = %get3A_63, %while3A_133 = %get3A_66, %while3A_134 = %get3A_69, %while3A_135 = %get3A_72, %while3A_136 = %get3A_75) -> (vector<16xf32>, vector<16xf32>, vector<16xf32>, vector<16xf32>, vector<16xf32>, vector<16xf32>, vector<16xf32>, vector<16xf32>)  : i32 {
        %get3A_137 = arith.index_cast %while3A_128 : i32 to index
        %get3A_138 = arith.constant 0 : index
        %get3A_139 = tpu.vector_load %arg6[%get3A_137, %get3A_138] {strides = array<i32>} : memref<256x128xf32, #tpu.memory_space<vmem>>, vector<16xf32>,
        %add3A_140 = arith.addf %while3A_129, %get3A_139 : vector<16xf32>
        %get3A_141 = arith.index_cast %while3A_128 : i32 to index
        %get3A_142 = arith.constant 16 : index
        %get3A_143 = tpu.vector_load %arg6[%get3A_141, %get3A_142] {strides = array<i32>} : memref<256x128xf32, #tpu.memory_space<vmem>>, vector<16xf32>,
        %add3A_144 = arith.addf %while3A_130, %get3A_143 : vector<16xf32>
        %get3A_145 = arith.index_cast %while3A_128 : i32 to index
        %get3A_146 = arith.constant 32 : index
        %get3A_147 = tpu.vector_load %arg6[%get3A_145, %get3A_146] {strides = array<i32>} : memref<256x128xf32, #tpu.memory_space<vmem>>, vector<16xf32>,
        %add3A_148 = arith.addf %while3A_131, %get3A_147 : vector<16xf32>
        %get3A_149 = arith.index_cast %while3A_128 : i32 to index
        %get3A_150 = arith.constant 48 : index
        %get3A_151 = tpu.vector_load %arg6[%get3A_149, %get3A_150] {strides = array<i32>} : memref<256x128xf32, #tpu.memory_space<vmem>>, vector<16xf32>,
        %add3A_152 = arith.addf %while3A_132, %get3A_151 : vector<16xf32>
        %get3A_153 = arith.index_cast %while3A_128 : i32 to index
        %get3A_154 = arith.constant 64 : index
        %get3A_155 = tpu.vector_load %arg6[%get3A_153, %get3A_154] {strides = array<i32>} : memref<256x128xf32, #tpu.memory_space<vmem>>, vector<16xf32>,
        %add3A_156 = arith.addf %while3A_133, %get3A_155 : vector<16xf32>
        %get3A_157 = arith.index_cast %while3A_128 : i32 to index
        %get3A_158 = arith.constant 80 : index
        %get3A_159 = tpu.vector_load %arg6[%get3A_157, %get3A_158] {strides = array<i32>} : memref<256x128xf32, #tpu.memory_space<vmem>>, vector<16xf32>,
        %add3A_160 = arith.addf %while3A_134, %get3A_159 : vector<16xf32>
        %get3A_161 = arith.index_cast %while3A_128 : i32 to index
        %get3A_162 = arith.constant 96 : index
        %get3A_163 = tpu.vector_load %arg6[%get3A_161, %get3A_162] {strides = array<i32>} : memref<256x128xf32, #tpu.memory_space<vmem>>, vector<16xf32>,
        %add3A_164 = arith.addf %while3A_135, %get3A_163 : vector<16xf32>
        %get3A_165 = arith.index_cast %while3A_128 : i32 to index
        %get3A_166 = arith.constant 112 : index
        %get3A_167 = tpu.vector_load %arg6[%get3A_165, %get3A_166] {strides = array<i32>} : memref<256x128xf32, #tpu.memory_space<vmem>>, vector<16xf32>,
        %add3A_168 = arith.addf %while3A_136, %get3A_167 : vector<16xf32>
        scf.yield %add3A_140, %add3A_144, %add3A_148, %add3A_152, %add3A_156, %add3A_160, %add3A_164, %add3A_168 : vector<16xf32>, vector<16xf32>, vector<16xf32>, vector<16xf32>, vector<16xf32>, vector<16xf32>, vector<16xf32>, vector<16xf32>
      }
      %while3A_85 = arith.constant 1 : i32
      %while3A_86:8 = scf.for %while3A_128 = %while3A_82 to %while3A_78 step %while3A_85 iter_args(%while3A_129 = %while3A_84#0, %while3A_130 = %while3A_84#1, %while3A_131 = %while3A_84#2, %while3A_132 = %while3A_84#3, %while3A_133 = %while3A_84#4, %while3A_134 = %while3A_84#5, %while3A_135 = %while3A_84#6, %while3A_136 = %while3A_84#7) -> (vector<16xf32>, vector<16xf32>, vector<16xf32>, vector<16xf32>, vector<16xf32>, vector<16xf32>, vector<16xf32>, vector<16xf32>)  : i32 {
        %get3A_137 = arith.index_cast %while3A_128 : i32 to index
        %get3A_138 = arith.constant 0 : index
        %get3A_139 = tpu.vector_load %arg6[%get3A_137, %get3A_138] {strides = array<i32>} : memref<256x128xf32, #tpu.memory_space<vmem>>, vector<16xf32>,
        %add3A_140 = arith.addf %while3A_129, %get3A_139 : vector<16xf32>
        %get3A_141 = arith.index_cast %while3A_128 : i32 to index
        %get3A_142 = arith.constant 16 : index
        %get3A_143 = tpu.vector_load %arg6[%get3A_141, %get3A_142] {strides = array<i32>} : memref<256x128xf32, #tpu.memory_space<vmem>>, vector<16xf32>,
        %add3A_144 = arith.addf %while3A_130, %get3A_143 : vector<16xf32>
        %get3A_145 = arith.index_cast %while3A_128 : i32 to index
        %get3A_146 = arith.constant 32 : index
        %get3A_147 = tpu.vector_load %arg6[%get3A_145, %get3A_146] {strides = array<i32>} : memref<256x128xf32, #tpu.memory_space<vmem>>, vector<16xf32>,
        %add3A_148 = arith.addf %while3A_131, %get3A_147 : vector<16xf32>
        %get3A_149 = arith.index_cast %while3A_128 : i32 to index
        %get3A_150 = arith.constant 48 : index
        %get3A_151 = tpu.vector_load %arg6[%get3A_149, %get3A_150] {strides = array<i32>} : memref<256x128xf32, #tpu.memory_space<vmem>>, vector<16xf32>,
        %add3A_152 = arith.addf %while3A_132, %get3A_151 : vector<16xf32>
        %get3A_153 = arith.index_cast %while3A_128 : i32 to index
        %get3A_154 = arith.constant 64 : index
        %get3A_155 = tpu.vector_load %arg6[%get3A_153, %get3A_154] {strides = array<i32>} : memref<256x128xf32, #tpu.memory_space<vmem>>, vector<16xf32>,
        %add3A_156 = arith.addf %while3A_133, %get3A_155 : vector<16xf32>
        %get3A_157 = arith.index_cast %while3A_128 : i32 to index
        %get3A_158 = arith.constant 80 : index
        %get3A_159 = tpu.vector_load %arg6[%get3A_157, %get3A_158] {strides = array<i32>} : memref<256x128xf32, #tpu.memory_space<vmem>>, vector<16xf32>,
        %add3A_160 = arith.addf %while3A_134, %get3A_159 : vector<16xf32>
        %get3A_161 = arith.index_cast %while3A_128 : i32 to index
        %get3A_162 = arith.constant 96 : index
        %get3A_163 = tpu.vector_load %arg6[%get3A_161, %get3A_162] {strides = array<i32>} : memref<256x128xf32, #tpu.memory_space<vmem>>, vector<16xf32>,
        %add3A_164 = arith.addf %while3A_135, %get3A_163 : vector<16xf32>
        %get3A_165 = arith.index_cast %while3A_128 : i32 to index
        %get3A_166 = arith.constant 112 : index
        %get3A_167 = tpu.vector_load %arg6[%get3A_165, %get3A_166] {strides = array<i32>} : memref<256x128xf32, #tpu.memory_space<vmem>>, vector<16xf32>,
        %add3A_168 = arith.addf %while3A_136, %get3A_167 : vector<16xf32>
        scf.yield %add3A_140, %add3A_144, %add3A_148, %add3A_152, %add3A_156, %add3A_160, %add3A_164, %add3A_168 : vector<16xf32>, vector<16xf32>, vector<16xf32>, vector<16xf32>, vector<16xf32>, vector<16xf32>, vector<16xf32>, vector<16xf32>
      }
      %swap3A = arith.index_cast %while3A_50 : i32 to index
      %swap3A_87 = arith.constant 0 : index
      %swap3A_88 = tpu.vector_load %arg8[%swap3A, %swap3A_87] {strides = array<i32>} : memref<16x128xf32, #tpu.memory_space<vmem>>, vector<16xf32>,
      tpu.vector_store %arg8[%swap3A, %swap3A_87], %while3A_86#0 {strides = array<i32>} : memref<16x128xf32, #tpu.memory_space<vmem>>, vector<16xf32>,
      %swap3A_89 = arith.index_cast %while3A_50 : i32 to index
      %swap3A_90 = arith.constant 16 : index
      %swap3A_91 = tpu.vector_load %arg8[%swap3A_89, %swap3A_90] {strides = array<i32>} : memref<16x128xf32, #tpu.memory_space<vmem>>, vector<16xf32>,
      tpu.vector_store %arg8[%swap3A_89, %swap3A_90], %while3A_86#1 {strides = array<i32>} : memref<16x128xf32, #tpu.memory_space<vmem>>, vector<16xf32>,
      %swap3A_92 = arith.index_cast %while3A_50 : i32 to index
      %swap3A_93 = arith.constant 32 : index
      %swap3A_94 = tpu.vector_load %arg8[%swap3A_92, %swap3A_93] {strides = array<i32>} : memref<16x128xf32, #tpu.memory_space<vmem>>, vector<16xf32>,
      tpu.vector_store %arg8[%swap3A_92, %swap3A_93], %while3A_86#2 {strides = array<i32>} : memref<16x128xf32, #tpu.memory_space<vmem>>, vector<16xf32>,
      %swap3A_95 = arith.index_cast %while3A_50 : i32 to index
      %swap3A_96 = arith.constant 48 : index
      %swap3A_97 = tpu.vector_load %arg8[%swap3A_95, %swap3A_96] {strides = array<i32>} : memref<16x128xf32, #tpu.memory_space<vmem>>, vector<16xf32>,
      tpu.vector_store %arg8[%swap3A_95, %swap3A_96], %while3A_86#3 {strides = array<i32>} : memref<16x128xf32, #tpu.memory_space<vmem>>, vector<16xf32>,
      %swap3A_98 = arith.index_cast %while3A_50 : i32 to index
      %swap3A_99 = arith.constant 64 : index
      %swap3A_100 = tpu.vector_load %arg8[%swap3A_98, %swap3A_99] {strides = array<i32>} : memref<16x128xf32, #tpu.memory_space<vmem>>, vector<16xf32>,
      tpu.vector_store %arg8[%swap3A_98, %swap3A_99], %while3A_86#4 {strides = array<i32>} : memref<16x128xf32, #tpu.memory_space<vmem>>, vector<16xf32>,
      %swap3A_101 = arith.index_cast %while3A_50 : i32 to index
      %swap3A_102 = arith.constant 80 : index
      %swap3A_103 = tpu.vector_load %arg8[%swap3A_101, %swap3A_102] {strides = array<i32>} : memref<16x128xf32, #tpu.memory_space<vmem>>, vector<16xf32>,
      tpu.vector_store %arg8[%swap3A_101, %swap3A_102], %while3A_86#5 {strides = array<i32>} : memref<16x128xf32, #tpu.memory_space<vmem>>, vector<16xf32>,
      %swap3A_104 = arith.index_cast %while3A_50 : i32 to index
      %swap3A_105 = arith.constant 96 : index
      %swap3A_106 = tpu.vector_load %arg8[%swap3A_104, %swap3A_105] {strides = array<i32>} : memref<16x128xf32, #tpu.memory_space<vmem>>, vector<16xf32>,
      tpu.vector_store %arg8[%swap3A_104, %swap3A_105], %while3A_86#6 {strides = array<i32>} : memref<16x128xf32, #tpu.memory_space<vmem>>, vector<16xf32>,
      %swap3A_107 = arith.index_cast %while3A_50 : i32 to index
      %swap3A_108 = arith.constant 112 : index
      %swap3A_109 = tpu.vector_load %arg8[%swap3A_107, %swap3A_108] {strides = array<i32>} : memref<16x128xf32, #tpu.memory_space<vmem>>, vector<16xf32>,
      tpu.vector_store %arg8[%swap3A_107, %swap3A_108], %while3A_86#7 {strides = array<i32>} : memref<16x128xf32, #tpu.memory_space<vmem>>, vector<16xf32>,
      %le3A_110 = arith.cmpi sle, %while3A_51, %add3A_47 : i32
      %add3A_111 = arith.constant 1 : i32
      %add3A_112 = arith.addi %while3A_50, %add3A_111 : i32
      %select_n3A_113 = arith.select %le3A_110, %add3A_112, %while3A_50 : i32
      %eq3A_114 = vector.broadcast %select_n3A_113 : i32 to vector<16xi32>
      %eq3A_115 = arith.cmpi eq, %iota3A, %eq3A_114 : vector<16xi32>
      %jit3A_116 = arith.constant 0 : i32
      %broadcast_in_dim3A_117 = vector.broadcast %jit3A_116 : i32 to vector<16xi32>
      %select_n3A_118 = arith.select %eq3A_115, %masked_cumsum3A, %broadcast_in_dim3A_117 : vector<16xi1>, vector<16xi32>
      %reduce_max3A_119 = arith.constant true
      %reduce_max3A_120 = vector.broadcast %reduce_max3A_119 : i1 to vector<16xi1>
      %reduce_max3A_121 = arith.constant -2147483648 : i32
      %reduce_max3A_122 = vector.broadcast %reduce_max3A_121 : i32 to vector<16xi32>
      %reduce_max3A_123 = arith.xori %select_n3A_118, %reduce_max3A_122 : vector<16xi32>
      %reduce_max3A_124 = tpu.scan <max>, %reduce_max3A_123 masked %reduce_max3A_120 : vector<16xi32>, vector<16xi1> -> vector<16xi32>
      %reduce_max3A_125 = arith.xori %reduce_max3A_124, %reduce_max3A_122 : vector<16xi32>
      %reduce_max3A_126 = vector.extract %reduce_max3A_125[15] : i32 from vector<16xi32>
      %select_n3A_127 = arith.select %le3A_110, %reduce_max3A_126, %while3A_51 : i32
      scf.yield %min3A, %select_n3A_113, %select_n3A_127 : i32, i32, i32
    }
    "tpu.region"() ({
      %run_scoped3A = tpu.sem_alloc : memref<!tpu.dma_semaphore, #tpu.memory_space<semaphore_mem>>
      %dma_start3A_49 = arith.constant 0 : i32
      %dma_start3A_50 = tpu.memref_slice %arg4[%arg0, %dma_start3A_49, %mul3A_3] : memref<2x16x2048xf32, #tpu.memory_space<hbm>> -> memref<1x16x128xf32, #tpu.memory_space<hbm>>
      %dma_start3A_51 = tpu.memref_squeeze %dma_start3A_50 : memref<1x16x128xf32, #tpu.memory_space<hbm>> -> memref<16x128xf32, #tpu.memory_space<hbm>>
      %dma_start3A_52 = arith.constant 0 : i32
      %dma_start3A_53 = tpu.memref_slice %arg4[%arg0, %dma_start3A_52, %mul3A_3] : memref<2x16x2048xf32, #tpu.memory_space<hbm>> -> memref<1x16x128xf32, #tpu.memory_space<hbm>>
      %dma_start3A_54 = tpu.memref_squeeze %dma_start3A_53 : memref<1x16x128xf32, #tpu.memory_space<hbm>> -> memref<16x128xf32, #tpu.memory_space<hbm>>
      tpu.enqueue_dma source(%arg8 : memref<16x128xf32, #tpu.memory_space<vmem>>) target(%dma_start3A_54 : memref<16x128xf32, #tpu.memory_space<hbm>>) target_semaphore(%run_scoped3A : memref<!tpu.dma_semaphore, #tpu.memory_space<semaphore_mem>>)
      %dma_wait3A_55 = arith.constant 0 : i32
      %dma_wait3A_56 = tpu.memref_slice %arg4[%arg0, %dma_wait3A_55, %mul3A_3] : memref<2x16x2048xf32, #tpu.memory_space<hbm>> -> memref<1x16x128xf32, #tpu.memory_space<hbm>>
      %dma_wait3A_57 = tpu.memref_squeeze %dma_wait3A_56 : memref<1x16x128xf32, #tpu.memory_space<hbm>> -> memref<16x128xf32, #tpu.memory_space<hbm>>
      %dma_wait3A_58 = arith.constant 0 : i32
      %dma_wait3A_59 = tpu.memref_slice %arg4[%arg0, %dma_wait3A_58, %mul3A_3] : memref<2x16x2048xf32, #tpu.memory_space<hbm>> -> memref<1x16x128xf32, #tpu.memory_space<hbm>>
      %dma_wait3A_60 = tpu.memref_squeeze %dma_wait3A_59 : memref<1x16x128xf32, #tpu.memory_space<hbm>> -> memref<16x128xf32, #tpu.memory_space<hbm>>
      tpu.wait_dma2 semaphore(%run_scoped3A : memref<!tpu.dma_semaphore, #tpu.memory_space<semaphore_mem>>) src(%arg8 : memref<16x128xf32, #tpu.memory_space<vmem>>) dst(%dma_wait3A_60 : memref<16x128xf32, #tpu.memory_space<hbm>>)
      tpu.yield
    }) : () -> ()
    return
  }
}

module attributes {stable_mosaic.version = 14 : i64} {
  func.func @_pool_tc_body(%arg0: i32, %arg1: memref<1x16xf32, #tpu.memory_space<vmem>>, %arg2: memref<1024x2048xf32, #tpu.memory_space<vmem>>, %arg3: memref<16x2048xf32, #tpu.memory_space<vmem>>) attributes {dimension_semantics = [#tpu.dimension_semantics<arbitrary>], iteration_bounds = array<i64: 16>, scalar_prefetch = 0 : i64, scratch_operands = 0 : i64, tpu.core_type = #tpu.core_type<tc>, window_params = [{pipeline_mode = #tpu.pipeline_mode<synchronous>, transform_indices = @transform_0, window_bounds = array<i64: 1, 16>}, {transform_indices = @transform_1, window_bounds = array<i64: 1024, 2048>}, {pipeline_mode = #tpu.pipeline_mode<synchronous>, transform_indices = @transform_2, window_bounds = array<i64: 16, 2048>}]} {
    %get3A = arith.constant 0 : index
    %get3A_0 = arith.constant 0 : index
    %get3A_1 = vector.load %arg1[%get3A, %get3A_0] : memref<1x16xf32, #tpu.memory_space<vmem>>, vector<1x16xf32>
    %iota3A = tpu.iota {dimensions = array<i32: 0>} : vector<16x16xi32>
    %iota3A_2 = tpu.iota {dimensions = array<i32: 1>} : vector<16x16xi32>
    %le3A = arith.cmpi sle, %iota3A, %iota3A_2 : vector<16x16xi32>
    %convert_element_type3A = arith.extui %le3A : vector<16x16xi1> to vector<16x16xi32>
    %convert_element_type3A_3 = arith.sitofp %convert_element_type3A : vector<16x16xi32> to vector<16x16xf32>
    %dot_general3A = arith.constant dense<0.000000e+00> : vector<1x16xf32>
    %dot_general3A_4 = tpu.matmul %get3A_1, %convert_element_type3A_3, %dot_general3A {dimension_numbers = #tpu.dot_dimension_numbers<[1], [0], [0], [1], [0, 0, 1, 1], [], []>, precision = #tpu.contract_precision<fp32>, transpose_lhs_hint = false} : vector<1x16xf32>, vector<16x16xf32>, vector<1x16xf32> -> vector<1x16xf32>
    %sub3A = arith.subf %dot_general3A_4, %get3A_1 : vector<1x16xf32>
    %mul3A = arith.constant 1024 : i32
    %mul3A_5 = arith.muli %arg0, %mul3A : i32
    %iota3A_6 = tpu.iota {dimensions = array<i32: 0>} : vector<1024x1xi32>
    %add3A = vector.broadcast %mul3A_5 : i32 to vector<1024x1xi32>
    %add3A_7 = arith.addi %add3A, %iota3A_6 : vector<1024x1xi32>
    %convert_element_type3A_8 = arith.sitofp %add3A_7 : vector<1024x1xi32> to vector<1024x1xf32>
    %ge3A = vector.broadcast %convert_element_type3A_8 : vector<1024x1xf32> to vector<1024x16xf32>
    %ge3A_9 = vector.broadcast %sub3A : vector<1x16xf32> to vector<1024x16xf32>
    %ge3A_10 = arith.cmpf oge, %ge3A, %ge3A_9 : vector<1024x16xf32>
    %lt3A = vector.broadcast %convert_element_type3A_8 : vector<1024x1xf32> to vector<1024x16xf32>
    %lt3A_11 = vector.broadcast %dot_general3A_4 : vector<1x16xf32> to vector<1024x16xf32>
    %lt3A_12 = arith.cmpf olt, %lt3A, %lt3A_11 : vector<1024x16xf32>
    %and3A = arith.andi %ge3A_10, %lt3A_12 : vector<1024x16xi1>
    %convert_element_type3A_13 = arith.extui %and3A : vector<1024x16xi1> to vector<1024x16xi32>
    %convert_element_type3A_14 = arith.sitofp %convert_element_type3A_13 : vector<1024x16xi32> to vector<1024x16xf32>
    %get3A_15 = arith.constant 0 : index
    %get3A_16 = arith.constant 0 : index
    %get3A_17 = vector.load %arg2[%get3A_15, %get3A_16] : memref<1024x2048xf32, #tpu.memory_space<vmem>>, vector<1024x2048xf32>
    %dot_general3A_18 = arith.constant dense<0.000000e+00> : vector<16x2048xf32>
    %dot_general3A_19 = tpu.matmul %convert_element_type3A_14, %get3A_17, %dot_general3A_18 {dimension_numbers = #tpu.dot_dimension_numbers<[0], [0], [1], [1], [0, 1, 1, 1], [], []>, precision = #tpu.contract_precision<fp32>, transpose_lhs_hint = false} : vector<1024x16xf32>, vector<1024x2048xf32>, vector<16x2048xf32> -> vector<16x2048xf32>
    %eq3A = arith.constant 0 : i32
    %eq3A_20 = arith.cmpi eq, %arg0, %eq3A : i32
    %convert_element_type3A_21 = arith.extui %eq3A_20 : i1 to i32
    %cond3A = arith.constant 0 : i32
    %cond3A_22 = arith.cmpi ne, %convert_element_type3A_21, %cond3A : i32
    scf.if %cond3A_22 {
      %swap3A = arith.constant 0 : index
      %swap3A_27 = arith.constant 0 : index
      %swap3A_28 = vector.load %arg3[%swap3A, %swap3A_27] : memref<16x2048xf32, #tpu.memory_space<vmem>>, vector<16x2048xf32>
      tpu.vector_store %arg3[%swap3A, %swap3A_27], %dot_general3A_19 {strides = array<i32>} : memref<16x2048xf32, #tpu.memory_space<vmem>>, vector<16x2048xf32>,
    } else {
    }
    %gt3A = arith.constant 0 : i32
    %gt3A_23 = arith.cmpi sgt, %arg0, %gt3A : i32
    %convert_element_type3A_24 = arith.extui %gt3A_23 : i1 to i32
    %cond3A_25 = arith.constant 0 : i32
    %cond3A_26 = arith.cmpi ne, %convert_element_type3A_24, %cond3A_25 : i32
    scf.if %cond3A_26 {
      %get3A_27 = arith.constant 0 : index
      %get3A_28 = arith.constant 0 : index
      %get3A_29 = vector.load %arg3[%get3A_27, %get3A_28] : memref<16x2048xf32, #tpu.memory_space<vmem>>, vector<16x2048xf32>
      %add3A_30 = arith.addf %get3A_29, %dot_general3A_19 : vector<16x2048xf32>
      %swap3A = arith.constant 0 : index
      %swap3A_31 = arith.constant 0 : index
      %swap3A_32 = vector.load %arg3[%swap3A, %swap3A_31] : memref<16x2048xf32, #tpu.memory_space<vmem>>, vector<16x2048xf32>
      tpu.vector_store %arg3[%swap3A, %swap3A_31], %add3A_30 {strides = array<i32>} : memref<16x2048xf32, #tpu.memory_space<vmem>>, vector<16x2048xf32>,
    } else {
    }
    return
  }
  func.func @transform_0(%arg0: i32) -> (i32, i32) {
    %c0_i32 = arith.constant 0 : i32
    %c0_i32_0 = arith.constant 0 : i32
    %c0_i32_1 = arith.constant 0 : i32
    return %c0_i32, %c0_i32_0 : i32, i32
  }
  func.func @transform_1(%arg0: i32) -> (i32, i32) {
    %c0_i32 = arith.constant 0 : i32
    %c0_i32_0 = arith.constant 0 : i32
    return %arg0, %c0_i32 : i32, i32
  }
  func.func @transform_2(%arg0: i32) -> (i32, i32) {
    %c0_i32 = arith.constant 0 : i32
    %c0_i32_0 = arith.constant 0 : i32
    %c0_i32_1 = arith.constant 0 : i32
    return %c0_i32, %c0_i32_0 : i32, i32
  }
}

module attributes {stable_mosaic.version = 14 : i64} {
  func.func @_finish_body(%arg0: memref<16x1xf32, #tpu.memory_space<vmem>>, %arg1: memref<16x2048xf32, #tpu.memory_space<vmem>>, %arg2: memref<2x16x2048xf32, #tpu.memory_space<vmem>>, %arg3: memref<16x2048xf32, #tpu.memory_space<vmem>>) attributes {dimension_semantics = [], scalar_prefetch = 0 : i64, scratch_operands = 0 : i64, tpu.core_type = #tpu.core_type<tc>} {
    %get3A = arith.constant 0 : index
    %get3A_0 = arith.constant 0 : index
    %get3A_1 = vector.load %arg1[%get3A, %get3A_0] : memref<16x2048xf32, #tpu.memory_space<vmem>>, vector<16x2048xf32>
    %get3A_2 = arith.constant 0 : index
    %get3A_3 = arith.constant 0 : index
    %get3A_4 = arith.constant 0 : index
    %get3A_5 = vector.load %arg2[%get3A_2, %get3A_3, %get3A_4] : memref<2x16x2048xf32, #tpu.memory_space<vmem>>, vector<1x16x2048xf32>
    %get3A_6 = vector.shape_cast %get3A_5 : vector<1x16x2048xf32> to vector<16x2048xf32>
    %add3A = arith.addf %get3A_1, %get3A_6 : vector<16x2048xf32>
    %get3A_7 = arith.constant 1 : index
    %get3A_8 = arith.constant 0 : index
    %get3A_9 = arith.constant 0 : index
    %get3A_10 = vector.load %arg2[%get3A_7, %get3A_8, %get3A_9] : memref<2x16x2048xf32, #tpu.memory_space<vmem>>, vector<1x16x2048xf32>
    %get3A_11 = vector.shape_cast %get3A_10 : vector<1x16x2048xf32> to vector<16x2048xf32>
    %add3A_12 = arith.addf %add3A, %get3A_11 : vector<16x2048xf32>
    %get3A_13 = arith.constant 0 : index
    %get3A_14 = arith.constant 0 : index
    %get3A_15 = vector.load %arg0[%get3A_13, %get3A_14] : memref<16x1xf32, #tpu.memory_space<vmem>>, vector<16x1xf32>
    %div3A = vector.broadcast %get3A_15 : vector<16x1xf32> to vector<16x2048xf32>
    %div3A_16 = arith.divf %add3A_12, %div3A : vector<16x2048xf32>
    %mul3A = arith.mulf %div3A_16, %div3A_16 : vector<16x2048xf32>
    %reduce_sum3A = arith.constant dense<0.000000e+00> : vector<16xf32>
    %reduce_sum3A_17 = vector.multi_reduction <add>, %mul3A, %reduce_sum3A [1] : vector<16x2048xf32> to vector<16xf32>
    %broadcast_in_dim3A = vector.shape_cast %reduce_sum3A_17 : vector<16xf32> to vector<16x1xf32>
    %sqrt3A = math.sqrt %broadcast_in_dim3A : vector<16x1xf32>
    %max3A = arith.constant 9.99999996E-13 : f32
    %max3A_18 = vector.broadcast %max3A : f32 to vector<16x1xf32>
    %max3A_19 = arith.maximumf %sqrt3A, %max3A_18 : vector<16x1xf32>
    %div3A_20 = vector.broadcast %max3A_19 : vector<16x1xf32> to vector<16x2048xf32>
    %div3A_21 = arith.divf %div3A_16, %div3A_20 : vector<16x2048xf32>
    %swap3A = arith.constant 0 : index
    %swap3A_22 = arith.constant 0 : index
    %swap3A_23 = vector.load %arg3[%swap3A, %swap3A_22] : memref<16x2048xf32, #tpu.memory_space<vmem>>, vector<16x2048xf32>
    tpu.vector_store %arg3[%swap3A, %swap3A_22], %div3A_21 {strides = array<i32>} : memref<16x2048xf32, #tpu.memory_space<vmem>>, vector<16x2048xf32>,
    return
  }
}

</mosaic_0001>

<sc_bundles>
// kernel: kernel.5.cloned.1.call-start
scs
__scs_entry_jumppad:
0x0: {  	(pc) =	sbr.rel $0x88, $3  }
0x1: {  	(tag) =	ssettag $0x0;
	lr =	simm.s32 $0x1  }
0x2: {  	[smem:$0x3F9F] =	sst lr;
	_ =	strace $0xD0000000  }
0x3: {  	_ = 	snop  }
0x4: {  	_ = 	snop  }
0x5: {  	_ = 	snop  }
0x6: {  	_ = 	snop  }
0x7: {  	_ = 	snop  }
__scs_overlays_trampoline_lowered:
0x8: {  	[smem:$0x3FAE] =	sst s0  }
0x9: {  	[smem:$0x3FAF] =	sst s1  }
0xa: {  	[smem:$0x3FB0] =	sst s2  }
0xb: {  	[smem:$0x3FB1] =	sst s3  }
0xc: {  	[smem:$0x3FB2] =	sst s4  }
0xd: {  	[smem:$0x3FB3] =	sst s5  }
0xe: {  	[smem:$0x3FB4] =	sst s6  }
0xf: {  	[smem:$0x3FB5] =	sst s7  }
0x10: {  	[smem:$0x3FB6] =	sst s8  }
0x11: {  	[smem:$0x3FB7] =	sst s9;
	s0 =	simm.s32 @!p0 $0x0  }
0x12: {  	s1 =	sld [smem:$0x3F9D];
	s0 =	simm.s32 @p0 $0x1  }
0x13: {  	[smem:$0x3FB8] =	sst s0;
	s0 =	simm.s32 @!p1 $0x0  }
0x14: {  	s2 =	sld [smem:$0x3F9C];
	s0 =	simm.s32 @p1 $0x1  }
0x15: {  	[smem:$0x3FB9] =	sst s0;
	s0 =	simm.s32 @!p2 $0x0  }
0x16: {  	s3 =	sld [smem:$0x3FDB];
	s0 =	simm.s32 @p2 $0x1  }
0x17: {  	s4 =	simm.s32 $0x1BF5;
	[smem:$0x3FBB] =	sst s0  }
0x18: {  	s0 =	sld [smem:$0x3F9E];
	_ =	swait.ge [sflag:s4], $0x0  }
0x19: {  	s7 =	sld [smem:$0x3F9F]  }
0x1a: {  	s8 =	sadd.s32 $0xFFFFE003, lr  }
0x1b: {  	s9 =	sadd.s32 $0xFFFFFEF7, lr;
	s5 =	simm.s32 $0xFFFFFFFF;
	p2 =	slt.u32 s8, $0xFFFFF086  }
0x1c: {  	p1 =	slt.u32 s9, $0xF7A;
	s5 =	simm.s32 @!p2 $0x0  }
0x1d: {  	s5 =	simm.s32 @p1 $0x1;
	p0 =	seq.s32 s7, s2  }
0x1e: {  	s7 =	smul.u32 @!p0 $0xF7A, s2;
	p2 =	seq.s32 @!p0 s5, $0x0  }
0x1f: {  	s9 =	smul.u32 $0xF7A, s1;
	s8 =	simm.s32 @!p0 $0x1BF5;
	p2 =	por !p2, p0  }
0x20: {  	[sflag:s8] =	ssyncset.s32 @!p0 $0xFFFFF086;
	s6 =	sadd.s32 @!p0 s3, s7;
	s7 =	simm.s32 @!p0 $0x108  }
0x21: {  	s3 =	sadd.s32 s3, s9;
	s6 =	sadd.s32 @!p0 $0x88, s6;
	s7 =	simm.s32 @p2 $0x1082  }
0x22: {  	[simem:s7], [sflag:s8] =	dma.local @!p0 [hbm:s6], $0xF7A  }
0x23: {  	s9 =	sor.u32 $0xD0000000, s2;
	s6 =	simm.s32 $0x108;
	_ =	swait.ge @!p0 [sflag:s8], $0x0  }
0x24: {  	s3 =	sadd.s32 $0x88, s3;
	s6 =	simm.s32 @!p1 $0x1082;
	[sflag:s4] =	ssyncset.s32 $0xFFFFF086  }
0x25: {  	[simem:s6], [sflag:s4] =	dma.local [hbm:s3], $0xF7A  }
0x26: {  	[smem:$0x3F9F] =	sst s1;
	(tag) =	ssettag s2;
	_ =	strace s9  }
0x27: {  	s1 =	sld [smem:$0x3FAF]  }
0x28: {  	s2 =	sld [smem:$0x3FB0]  }
0x29: {  	s4 =	sld [smem:$0x3FB2]  }
0x2a: {  	p0 =	seq.s32 s5, $0x0;
	s5 =	sld [smem:$0x3FB3]  }
0x2b: {  	s6 =	sld [smem:$0x3FB4]  }
0x2c: {  	s7 =	sld [smem:$0x3FB5]  }
0x2d: {  	s3 =	simm.s32 $0x108;
	s8 =	sld [smem:$0x3FB6]  }
0x2e: {  	s3 =	simm.s32 @!p0 $0x1082;
	s9 =	sld [smem:$0x3FB7]  }
0x2f: {  	lr =	sadd.s32 s0, s3;
	s0 =	sld [smem:$0x3FAE]  }
0x30: {  	s3 =	sld [smem:$0x3FB1]  }
0x31: {  	[smem:$0x3FBA] =	sst s10  }
0x32: {  	s10 =	sld [smem:$0x3FB8];
	_ =	sdelay $0x3  }
0x33: {  	p0 =	seq.s32 s10, $0x1;
	s10 =	sld [smem:$0x3FBA];
	_ =	sdelay $0x3  }
0x34: {  	[smem:$0x3FBA] =	sst s10  }
0x35: {  	s10 =	sld [smem:$0x3FB9];
	_ =	sdelay $0x3  }
0x36: {  	p1 =	seq.s32 s10, $0x1;
	s10 =	sld [smem:$0x3FBA];
	_ =	sdelay $0x3  }
0x37: {  	[smem:$0x3FBA] =	sst s10  }
0x38: {  	s10 =	sld [smem:$0x3FBB]  }
0x39: {  	_ = 	snop;
	(pc) =	sbr.ind lr, $3  }
0x3a: {  	_ = 	snop  }
0x3b: {  	_ = 	snop  }
0x3c: {  	p2 =	seq.s32 s10, $0x1;
	s10 =	sld [smem:$0x3FBA]  }
0x3d: {  	_ =	shalt  }
0x3e: {  	_ =	shalt  }
0x3f: {  	_ =	shalt  }
0x40: {  	_ =	shalt  }
0x41: {  	_ =	shalt  }
0x42: {  	_ =	shalt  }
0x43: {  	_ =	shalt  }
0x44: {  	_ =	shalt  }
0x45: {  	_ =	shalt  }
0x46: {  	_ =	shalt  }
0x47: {  	_ =	shalt  }
0x48: {  	_ =	shalt  }
0x49: {  	_ =	shalt  }
0x4a: {  	_ =	shalt  }
0x4b: {  	_ =	shalt  }
0x4c: {  	_ =	shalt  }
0x4d: {  	_ =	shalt  }
0x4e: {  	_ =	shalt  }
0x4f: {  	_ =	shalt  }
0x50: {  	_ =	shalt  }
0x51: {  	_ =	shalt  }
0x52: {  	_ =	shalt  }
0x53: {  	_ =	shalt  }
0x54: {  	_ =	shalt  }
0x55: {  	_ =	shalt  }
0x56: {  	_ =	shalt  }
0x57: {  	_ =	shalt  }
0x58: {  	_ =	shalt  }
0x59: {  	_ =	shalt  }
0x5a: {  	_ =	shalt  }
0x5b: {  	_ =	shalt  }
0x5c: {  	_ =	shalt  }
0x5d: {  	_ =	shalt  }
0x5e: {  	_ =	shalt  }
0x5f: {  	_ =	shalt  }
0x60: {  	_ =	shalt  }
0x61: {  	_ =	shalt  }
0x62: {  	_ =	shalt  }
0x63: {  	_ =	shalt  }
0x64: {  	_ =	shalt  }
0x65: {  	_ =	shalt  }
0x66: {  	_ =	shalt  }
0x67: {  	_ =	shalt  }
0x68: {  	_ =	shalt  }
0x69: {  	_ =	shalt  }
0x6a: {  	_ =	shalt  }
0x6b: {  	_ =	shalt  }
0x6c: {  	_ =	shalt  }
0x6d: {  	_ =	shalt  }
0x6e: {  	_ =	shalt  }
0x6f: {  	_ =	shalt  }
0x70: {  	_ =	shalt  }
0x71: {  	_ =	shalt  }
0x72: {  	_ =	shalt  }
0x73: {  	_ =	shalt  }
0x74: {  	_ =	shalt  }
0x75: {  	_ =	shalt  }
0x76: {  	_ =	shalt  }
0x77: {  	_ =	shalt  }
0x78: {  	_ =	shalt  }
0x79: {  	_ =	shalt  }
0x7a: {  	_ =	shalt  }
0x7b: {  	_ =	shalt  }
0x7c: {  	_ =	shalt  }
0x7d: {  	_ =	shalt  }
0x7e: {  	_ =	shalt  }
0x7f: {  	_ =	shalt  }
0x80: {  	_ =	shalt  }
0x81: {  	_ =	shalt  }
0x82: {  	_ =	shalt  }
0x83: {  	_ =	shalt  }
0x84: {  	_ =	shalt  }
0x85: {  	_ =	shalt  }
0x86: {  	_ =	shalt  }
0x87: {  	_ =	shalt  }
.Lfunc_end0:
.L_simem_size_0:
called_computation_lowered:
.L_overlay_start_0:
0x88: {  	s2 =	sld [smem:$0x3FD9]  }
0x89: {  	s3 =	sld [smem:$0x3FFE];
	_ =	sdelay $0x1  }
0x8a: {  	s1 =	srdreg.scid  }
0x8b: {  	s0 =	sand.u32 $0x1, s1  }
0x8c: {  	s17 =	sshll.u32 s0, $0xA;
	s2 =	sadd.s32 s3, s2  }
0x8d: {  	s2 =	sadd.s32 s2, s17  }
0x8e: {  	[smem:$0x3FC6] =	sst s2  }
0x8f: {  	_ = 	snop  }
0x90: {  	s2 =	sld [smem:$0x3FC9]  }
0x91: {  	s18 =	sld [smem:$0x3FC8];
	(tm) =	ssettm $0x1  }
0x92: {  	s4 =	sld [smem:$0x3FFB];
	_ =	sdelay $0x3  }
0x93: {  	_ =	strace s4  }
0x94: {  	s4 =	sld [smem:$0x3FFC];
	_ =	sdelay $0x3  }
0x95: {  	_ =	strace s4  }
0x96: {  	s4 =	sld [smem:$0x3FFD];
	_ =	sdelay $0x3  }
0x97: {  	_ =	strace s4  }
0x98: {  	_ =	strace $0x8FFFFFFF  }
0x99: {  	s19 =	sld [smem:$0x3FDB];
	_ =	sdelay $0x1  }
0x9a: {  	s5 =	simm.s32 $_scs_section_size  }
0x9b: {  	s6 =	simm.s32 $_size__tile_overlayer_lowered;
	s7 =	simm.s32 $_tile_overlayer_lowered  }
0x9c: {  	s22 =	simm.s32 $0x1BFF;
	s21 =	sshll.u32 s7, $0x1;
	s4 =	sadd.s32 s5, s19  }
0x9d: {  	s8 =	simm.s32 $0x0;
	s20 =	sshll.u32 s6, $0x1;
	s6 =	sadd.s32 s21, s4  }
0x9e: {  	[timem:s8], [sflag:s22] =	dma.local [hbm:s6], s20  }
0x9f: {  	_ =	swait.ge [sflag:s22], s20  }
0xa0: {  	s5 =	ssub.s32 $0x0, s20;
	[sflag:s22] =	ssyncset.done $0x0  }
0xa1: {  	[sflag:s22] =	ssyncadd.s32 s5;
	_ =	sdelay $0x1  }
0xa2: {  	s23 =	simm.s32 $0x1B8B  }
0xa3: {  	_ =	swait.ge [sflag:s23], $0x1  }
0xa4: {  	[sflag:s23] =	ssyncset.done $0x0  }
0xa5: {  	s25 =	simm.s32 $0x1B8E;
	s24 =	sld [smem:$0x3FFE];
	[sflag:s23] =	ssyncadd.s32 $0xFFFFFFFF  }
0xa6: {  	s26 =	simm.s32 $execute0_lowered;
	[smem:$0x3FD2] =	sst s25  }
0xa7: {  	s6 =	sshll.u32 s26, $0x1;
	_ =	strace $0x80000046;
	[dreg:$0x1] =	wrdreg $0xFFFFFFFF  }
0xa8: {  	s28 =	simm.s32 $_size_execute0_lowered;
	s4 =	sadd.s32 s4, s6;
	[dreg:$0x0] =	wrdreg $0x0  }
0xa9: {  	s6 =	sshll.u32 s28, $0x1;
	[dreg:$0x2] =	wrdreg s4  }
0xaa: {  	[dreg:$0x3] =	wrdreg s6  }
0xab: {  	[dreg:$0x4] =	wrdreg $0xC0  }
0xac: {  	_ =	task [dreg:s8], $0x5FFFF  }
0xad: {  	[dreg:$0x1] =	wrdreg $0xFFFFFFFF  }
0xae: {  	[dreg:$0x0] =	wrdreg $0x60  }
0xaf: {  	[dreg:$0x2] =	wrdreg s2  }
0xb0: {  	[dreg:$0x3] =	wrdreg s18  }
0xb1: {  	[dreg:$0x4] =	wrdreg s24  }
0xb2: {  	[dreg:$0x5] =	wrdreg $0x9  }
0xb3: {  	_ =	task.clear_ibuf [dreg:s8], $0x6FFFF;
	_ =	strace $0x90000046  }
0xb4: {  	s29 =	simm.s32 $0x9;
	_ =	strace $0x80000048  }
0xb5: {  	_ =	swait.ge [sflag:s29], $0x1  }
0xb6: {  	[sflag:s29] =	ssyncadd.s32 $0xFFFFFFFF  }
0xb7: {  	_ =	strace $0x90000048  }
0xb8: {  	_ =	sfence  }
0xb9: {  	s30 =	sld [smem:$0x0];
	_ =	sdelay $0x2  }
0xba: {  	s31 =	sshll.u32 s1, $0xD;
	s1 =	sshrl.u32 s1, $0x2  }
0xbb: {  	s3 =	sand.u32 $0x4000, s31;
	s1 =	sadd.s32 s1, s30  }
0xbc: {  	s0 =	sor.u32 s3, s0;
	s1 =	sshll.u32 s1, $0x11  }
0xbd: {  	s0 =	sor.u32 s1, s0  }
0xbe: {  	s0 =	sadd.s32 $0x8F2B, s0  }
0xbf: {  	[sflag:s0] =	ssyncadd.remote.s32 $0x1  }
0xc0: {  	_ =	sfence.sel $0xFFFF  }
0xc1: {  	[dreg:$0x0] =	wrdreg $0xFFFFFFFF;
	(pc) =	sbr.abs _section_cstart, $3  }
0xc2: {  	[dreg:$0x1] =	wrdreg $0xFFFFFFFF  }
0xc3: {  	_ =	task.clear_ibuf [dreg:s8], $0x2FFFF;
	_ =	strace $0x9FFFFFFF  }
0xc4: {  	(tm) =	ssettm $0x7FFFFFFF  }
0xc5: {  	_ =	shalt  }
tec
execute0_lowered:
.L_overlay_start_1:
0x0: {  	(tag) =	ssettag $0x1  }
0x1: {  	s1 =	rddreg [dreg:$0x0]  }
0x2: {  	s0 =	rddreg [dreg:$0x2]  }
0x3: {  	s2 =	srdreg.scid;
	s3 =	stileid.u32;
	s4 =	simm.s32 $0x0  }
0x4: {  	s29 =	simm.s32 $0x1;
	s30 =	simm.s32 $0x2;
	s31 =	simm.s32 $0x3  }
0x5: {  	s2 =	sand.u32 $0x1, s2;
	s3 =	sshll.u32 s3, $0xA;
	[smem:$0x7FF] =	sst s4  }
0x6: {  	s5 =	sshll.u32 s2, $0xF;
	s7 =	sshll.u32 s2, $0xD;
	_ =	strace $0x80000047  }
0x7: {  	s8 =	sshll.u32 s2, $0x18;
	s9 =	ssub.s32 $0x2, s2;
	s26 =	sshll.u32 s2, $0x14  }
0x8: {  	s2 =	simm.s32 $0x0;
	s5 =	sor.u32 s3, s5;
	s21 =	sshrl.u32 s9, $0x1  }
0x9: {  	s12 =	sor.u32 $0x5E00, s7;
	s13 =	sor.u32 $0x5F00, s7;
	s24 =	ssub.s32 $0xFFFFC000, s7  }
0xa: {  	s14 =	sadd.s32 $0x6000, s7;
	s25 =	sxor.u32 $0xFFFFBF00, s7;
	[dreg:$0x8] =	wrdreg s24  }
0xb: {  	s28 =	sxor.u32 $0xFFFFBE00, s7;
	s16 =	sxor.u32 $0xFFD10000, s26;
	[dreg:$0x9] =	wrdreg s25  }
0xc: {  	s6 =	sshrl.u32 s5, $0x3;
	s5 =	sor.u32 $0x4000, s7;
	[dreg:$0xa] =	wrdreg s28  }
0xd: {  	[dreg:$0xb] =	wrdreg s16;
	s0 =	sadd.s32 s6, s0;
	s20 =	sshll.u32 s5, $0xB  }
0xe: {  	s6 =	sor.u32 s3, s20;
	s3 =	sor.u32 s3, s8;
	s8 =	ssub.s32 s9, s21  }
0xf: {  	s0 =	sadd.s32 $0xA00, s0;
	s10 =	sshrl.u32 s6, $0x3;
	s3 =	sshrl.u32 s3, $0x3  }
0x10: {  	s9 =	sor.u32 $0x180000, s6;
	s11 =	sor.u32 $0x200000, s6;
	[dreg:$0x6] =	wrdreg s0  }
.Ltmp0:
0x11: {  	s23 =	smax.u32 s8, $0x1;
	s0 =	sxor.u32 $0xFFD08000, s26;
	(pc) =	sbr.rel .LBB2_1-.Ltmp0, $4  }
0x12: {  	s8 =	simm.s32 $0x4;
	s22 =	sadd.s32 s1, s10;
	[dreg:$0x7] =	wrdreg s23  }
0x13: {  	s3 =	sadd.s32 s3, s1;
	s17 =	sadd.s32 $0x8000, s0;
	[dreg:$0x4] =	wrdreg s22  }
0x14: {  	v1 =	vimm.f32 $0.0e+00;
	s10 =	sor.u32 $0x4100, s7;
	s3 =	sadd.s32 $0x410000, s3;
	[dreg:$0xc] =	wrdreg s17  }
0x15: {  	v2 =	vimm.s32 $0x0;
	v3 =	vlaneseq.u32;
	v0 =	vmov s5;
	s23 =	simm.s32 $0x4000;
	s22 =	simm.s32 $0x400;
	[dreg:$0x5] =	wrdreg s3  }
.LBB2_35:
0x16: {  	s0 =	rddreg [dreg:$0x6];
	s2 =	simm.s32 $0x18000;
	s8 =	simm.s32 $0x4  }
0x17: {  	[hbm4b:s0+s22] =	stream.strided.scatter [tilespmem:s2], [sflag:$0x4], $0x800, s23, s22, $0x38;
	[tilespmem:$0x18880] =	vst v63  }
0x18: {  	_ =	swait.ge [sflag:s8], $0x800  }
0x19: {  	s26 =	rddreg [dreg:$0xd]  }
0x1a: {  	s28 =	rddreg [dreg:$0x7];
	s2 =	sadd.s32 $0x1, s26  }
0x1b: {  	p0 =	sne.s32 s2, s28  }
.Ltmp1:
0x1c: {  	_ = 	snop;
	(pc) =	sbr.rel @!p0 .LBB2_36-.Ltmp1, $3  }
0x1d: {  	_ =	sdelay $0x1  }
0x1e: {  	[sflag:s8] =	ssyncset.done $0x0  }
0x1f: {  	[sflag:s8] =	ssyncadd.s32 $0xFFFFF800  }
.LBB2_1:
0x20: {  	[dreg:$0xd] =	wrdreg s2  }
0x21: {  	s0 =	rddreg [dreg:$0x4]  }
0x22: {  	s24 =	rddreg [dreg:$0x5];
	s26 =	sand.u32 $0x1E00, s4  }
0x23: {  	[tilespmem:s4], [sflag:$0x1] =	stream.strided.gather [hbm4b:s0+s22], $0x8000, s23, s22, $0x38;
	[tilespmem:$0x18880] =	vst v63  }
0x24: {  	s25 =	simm.s32 $0x8000;
	s28 =	sand.u32 $0x70, s4;
	s3 =	sshrl.u32 s26, $0x2  }
0x25: {  	s2 =	simm.s32 $0x0;
	s0 =	simm.s32 $0x40;
	s3 =	sor.u32 s28, s3  }
0x26: {  	[tilespmem:s25], [sflag:$0x2] =	stream.strided.gather [hbm4b:s24+s22], $0x8000, s23, s22, $0x38;
	[tilespmem:$0x18880] =	vst v63  }
.LBB2_2:
0x27: {  	p0 =	sne.s32 s0, $0x1FC0  }
0x28: {  	[tilespmem:s3+$0x18000] =	vst v1;
	s2 =	sadd.s32 $0x10, s2;
	s3 =	smov.u32 s0;
	s0 =	sadd.s32 $0x40, s0  }
.Ltmp2:
0x29: {  	(pc) =	sbr.rel @p0 .LBB2_2-.Ltmp2, $4  }
0x2a: {  	_ = 	snop  }
0x2b: {  	s3 =	sand.u32 $0x1E00, s3  }
0x2c: {  	s7 =	sand.u32 $0x70, s2;
	s3 =	sshrl.u32 s3, $0x2  }
0x2d: {  	s3 =	sor.u32 s7, s3  }
0x2e: {  	[tilespmem:s3+$0x18000] =	vst v1;
	s0 =	simm.s32 $0x0;
	s2 =	rddreg [dreg:$0x1];
	s26 =	simm.s32 $0x18800  }
0x2f: {  	[tilespmem:s26], [sflag:$0x4] =	stream.linear.gather [hbm4b:s2+s0], $0x80, $0x38;
	[tilespmem:$0x18880] =	vst v63  }
0x30: {  	_ =	swait.ge [sflag:s8], $0x80  }
0x31: {  	[sflag:s8] =	ssyncset.done $0x0  }
0x32: {  	[sflag:s8] =	ssyncadd.s32 $0xFFFFFF80  }
0x33: {  	v4 =	vld [tilespmem:$0x18800];
	_ =	sdelay $0x4  }
0x34: {  	(xrf0) =	vadd.scan.msk.s32 $0xffff, v4;
	_ =	sdelay $0x5  }
0x35: {  	v4, _, _ =	vpop (xrf0)  }
0x36: {  	vm0 =	vle.s32 v4, v0  }
0x37: {  	v5 =	vsel vm0, $0x1, v2  }
0x38: {  	(xrf0) =	vadd.scan.msk.s32 $0xffff, v5;
	_ =	sdelay $0x5  }
0x39: {  	v5, _, _ =	vpop (xrf0)  }
0x3a: {  	v6 =	vbroadcast v5, $0xF;
	_ =	sdelay $0x1  }
0x3b: {  	v4 =	vxor.u32 $0x80000000, v4;
	vm15 =	veq.s32 v6, v3  }
0x3c: {  	v6 =	vnsel vm15, $0x80000000, v4  }
0x3d: {  	(xrf0) =	vmax.scan.msk.u32 $0xffff, v6;
	_ =	sdelay $0x5  }
0x3e: {  	(v2sf) =	vpush v5, $0xF;
	v5, _, _ =	vpop (xrf0)  }
0x3f: {  	(v2sf) =	vpush v5, $0xF;
	_ =	sdelay $0xb  }
.Ltmp3:
0x40: {  	_ = 	snop;
	(pc) =	sbr.rel .LBB2_4-.Ltmp3, $4  }
0x41: {  	_ = 	snop  }
0x42: {  	s19 =	rddreg [dreg:$0xa];
	s3 =	spop (v2sf)  }
0x43: {  	s18 =	rddreg [dreg:$0x9];
	s28 =	spop (v2sf)  }
0x44: {  	s17 =	rddreg [dreg:$0x8];
	s25 =	sxor.u32 $0x80000000, s28  }
.LBB2_22:
0x45: {  	s0 =	sadd.s32 $0x1, s0  }
0x46: {  	p0 =	sne.s32 s0, $0xA  }
.Ltmp4:
0x47: {  	_ = 	snop;
	(pc) =	sbr.rel @!p0 .LBB2_23-.Ltmp4, $2  }
0x48: {  	_ =	sdelay $0x2  }
0x49: {  	s17 =	sadd.s32 $0xFFFFFD00, s17;
	s18 =	sadd.s32 $0xFFFFFD00, s18;
	s19 =	sadd.s32 $0xFFFFFD00, s19  }
.LBB2_4:
0x4a: {  	s2 =	smul.u32 $0x3, s0;
	_ =	sdelay $0x1  }
0x4b: {  	s16 =	sadd.s32 $0x2, s2  }
0x4c: {  	s2 =	sshll.u32 s16, $0x13  }
0x4d: {  	s2 =	sadd.s32 s6, s2  }
0x4e: {  	s15 =	smul.u32 $0x300, s0;
	s2 =	sshrl.u32 s2, $0x3  }
.Ltmp5:
0x4f: {  	s7 =	simm.s32 $0x10000;
	s2 =	sadd.s32 s1, s2;
	(pc) =	sbr.rel .LBB2_5-.Ltmp5, $4  }
0x50: {  	[tilespmem:s7], [sflag:$0x3] =	stream.strided.gather [hbm4b:s2+s22], $0x8000, s23, s22, $0x38;
	[tilespmem:$0x18880] =	vst v63  }
0x51: {  	_ =	swait.ge [sflag:s29], $0x8000  }
0x52: {  	s8 =	sadd.s32 s5, s15;
	[sflag:s29] =	ssyncset.done $0x0  }
0x53: {  	s21 =	smov.u32 s8;
	s2 =	sadd.s32 $0x100, s8;
	[sflag:s29] =	ssyncadd.s32 $0xFFFF8000  }
.LBB2_8:
0x54: {  	v8 =	vadd.f32 v14, v8  }
0x55: {  	v9 =	vadd.f32 v13, v9;
	v10 =	vadd.f32 v15, v10  }
0x56: {  	v11 =	vadd.f32 v16, v11;
	v5 =	vadd.f32 v17, v5  }
.LBB2_9:
0x57: {  	p1 =	sle.s32 s25, s2;
	s20 =	simm.s32 $0x1  }
0x58: {  	s20 =	simm.s32 @!p1 $0x0  }
0x59: {  	s3 =	sadd.s32 s20, s3  }
0x5a: {  	v13 =	vmov s3  }
0x5b: {  	vm0 =	veq.s32 v13, v3  }
0x5c: {  	v13 =	vnsel vm0, $0x80000000, v4  }
0x5d: {  	(xrf0) =	vmax.scan.msk.u32 $0xffff, v13;
	_ =	sdelay $0x5  }
0x5e: {  	v13, _, _ =	vpop (xrf0)  }
0x5f: {  	(v2sf) =	vpush v13, $0xF;
	_ =	sdelay $0x9  }
0x60: {  	[tilespmem:s26+$0x18010] =	vst v6  }
0x61: {  	[tilespmem:s26+$0x18020] =	vst v7  }
0x62: {  	[tilespmem:s26+$0x18030] =	vst v8  }
.Ltmp6:
0x63: {  	[tilespmem:s26+$0x18040] =	vst v9;
	(pc) =	sbr.rel @!p0 .LBB2_10-.Ltmp6, $4  }
0x64: {  	[tilespmem:s26+$0x18050] =	vst v10  }
0x65: {  	[tilespmem:s26+$0x18070] =	vst v12;
	s28 =	spop (v2sf)  }
0x66: {  	[tilespmem:s26+$0x18000] =	vst v5;
	s20 =	sxor.u32 $0x80000000, s28  }
0x67: {  	s21 =	smov.u32 s7;
	[tilespmem:s26+$0x18060] =	vst v11;
	s25 =	smov.u32 @p1 s20  }
.LBB2_5:
0x68: {  	s7 =	sshll.u32 s3, $0x9  }
0x69: {  	p0 =	slt.s32 s25, s2;
	s26 =	sshra.s32 s7, $0x2;
	s7 =	smov.u32 s2  }
0x6a: {  	v5 =	vld [tilespmem:s26+$0x18000];
	s7 =	smov.u32 @p0 s25  }
0x6b: {  	s28 =	ssub.s32 s21, s8;
	v6 =	vld [tilespmem:s26+$0x18010];
	s20 =	ssub.s32 s7, s8  }
0x6c: {  	v7 =	vld [tilespmem:s26+$0x18020];
	p1 =	sge.s32 s28, s20  }
.Ltmp7:
0x6d: {  	v8 =	vld [tilespmem:s26+$0x18030];
	(pc) =	sbr.rel @p1 .LBB2_9-.Ltmp7, $4  }
0x6e: {  	v9 =	vld [tilespmem:s26+$0x18040]  }
0x6f: {  	v10 =	vld [tilespmem:s26+$0x18050]  }
0x70: {  	v11 =	vld [tilespmem:s26+$0x18060]  }
0x71: {  	v12 =	vld [tilespmem:s26+$0x18070]  }
0x72: {  	s21 =	sadd.s32 s21, s17  }
0x73: {  	s21 =	sshll.u32 s21, $0x9  }
0x74: {  	s21 =	sshra.s32 s21, $0x2  }
0x75: {  	s24 =	sor.u32 $0x40, s21  }
0x76: {  	v16 =	vld [tilespmem:s24+$0x30]  }
0x77: {  	v17 =	vld [tilespmem:s24+$0xFFFFFFD0]  }
0x78: {  	v18 =	vld [tilespmem:s24+$0xFFFFFFE0]  }
0x79: {  	s21 =	sadd.s32 $0x1, s28;
	v14 =	vld [tilespmem:s24+$0xFFFFFFF0]  }
0x7a: {  	v13 =	vld [tilespmem:s24+$0x0];
	p1 =	slt.s32 s21, s20  }
.Ltmp8:
0x7b: {  	v15 =	vld [tilespmem:s24+$0x10];
	(pc) =	sbr.rel @!p1 .LBB2_8-.Ltmp8, $3  }
0x7c: {  	v12 =	vadd.f32 v16, v12;
	v16 =	vld [tilespmem:s24+$0x20]  }
0x7d: {  	v6 =	vadd.f32 v17, v6;
	v17 =	vld [tilespmem:s24+$0xFFFFFFC0];
	_ =	sdelay $0x1  }
0x7e: {  	s28 =	sadd.s32 $0x80, s24;
	v7 =	vadd.f32 v18, v7  }
.LBB2_7:
0x7f: {  	v18 =	vld [tilespmem:s28+$0x30];
	s21 =	sadd.s32 $0x1, s21;
	v8 =	vadd.f32 v14, v8  }
0x80: {  	v9 =	vadd.f32 v13, v9;
	v19 =	vld [tilespmem:s28+$0xFFFFFFD0];
	p1 =	slt.s32 s21, s20  }
0x81: {  	v10 =	vadd.f32 v15, v10;
	v20 =	vld [tilespmem:s28+$0xFFFFFFE0]  }
.Ltmp9:
0x82: {  	v11 =	vadd.f32 v16, v11;
	v14 =	vld [tilespmem:s28+$0xFFFFFFF0];
	(pc) =	sbr.rel @p1 .LBB2_7-.Ltmp9, $4  }
0x83: {  	v5 =	vadd.f32 v17, v5;
	v13 =	vld [tilespmem:s28+$0x0]  }
0x84: {  	v15 =	vld [tilespmem:s28+$0x10];
	v12 =	vadd.f32 v18, v12  }
0x85: {  	v6 =	vadd.f32 v19, v6;
	v16 =	vld [tilespmem:s28+$0x20]  }
0x86: {  	v17 =	vld [tilespmem:s28+$0xFFFFFFC0];
	v7 =	vadd.f32 v20, v7;
	s28 =	sadd.s32 $0x80, s28  }
.Ltmp10:
0x87: {  	_ = 	snop;
	(pc) =	sbr.rel .LBB2_8-.Ltmp10, $1  }
0x88: {  	_ =	sdelay $0x3  }
.LBB2_10:
0x89: {  	s8 =	smul.u32 $0x180000, s0;
	_ =	sdelay $0x1  }
0x8a: {  	s2 =	sadd.s32 s8, s9  }
0x8b: {  	s2 =	sshrl.u32 s2, $0x3  }
.Ltmp11:
0x8c: {  	s2 =	sadd.s32 s1, s2;
	(pc) =	sbr.rel .LBB2_11-.Ltmp11, $4  }
0x8d: {  	[tilespmem:s4], [sflag:$0x1] =	stream.strided.gather [hbm4b:s2+s22], $0x8000, s23, s22, $0x38;
	[tilespmem:$0x18880] =	vst v63  }
0x8e: {  	_ =	swait.ge [sflag:s30], $0x8000  }
0x8f: {  	s15 =	sadd.s32 s15, s10;
	[sflag:s30] =	ssyncset.done $0x0  }
0x90: {  	s7 =	sadd.s32 $0x100, s15;
	s21 =	smov.u32 s15;
	[sflag:s30] =	ssyncadd.s32 $0xFFFF8000  }
.LBB2_14:
0x91: {  	v8 =	vadd.f32 v14, v8  }
0x92: {  	v9 =	vadd.f32 v13, v9;
	v10 =	vadd.f32 v15, v10  }
0x93: {  	v11 =	vadd.f32 v16, v11;
	v5 =	vadd.f32 v17, v5  }
.LBB2_15:
0x94: {  	p1 =	sle.s32 s25, s7;
	s20 =	simm.s32 $0x1  }
0x95: {  	s20 =	simm.s32 @!p1 $0x0  }
0x96: {  	s3 =	sadd.s32 s20, s3  }
0x97: {  	v13 =	vmov s3  }
0x98: {  	vm0 =	veq.s32 v13, v3  }
0x99: {  	v13 =	vnsel vm0, $0x80000000, v4  }
0x9a: {  	(xrf0) =	vmax.scan.msk.u32 $0xffff, v13;
	_ =	sdelay $0x5  }
0x9b: {  	v13, _, _ =	vpop (xrf0)  }
0x9c: {  	(v2sf) =	vpush v13, $0xF;
	_ =	sdelay $0x9  }
0x9d: {  	[tilespmem:s26+$0x18010] =	vst v6  }
0x9e: {  	[tilespmem:s26+$0x18020] =	vst v7  }
0x9f: {  	[tilespmem:s26+$0x18030] =	vst v8  }
.Ltmp12:
0xa0: {  	[tilespmem:s26+$0x18040] =	vst v9;
	(pc) =	sbr.rel @!p0 .LBB2_16-.Ltmp12, $4  }
0xa1: {  	[tilespmem:s26+$0x18050] =	vst v10  }
0xa2: {  	[tilespmem:s26+$0x18070] =	vst v12;
	s28 =	spop (v2sf)  }
0xa3: {  	[tilespmem:s26+$0x18000] =	vst v5;
	s20 =	sxor.u32 $0x80000000, s28  }
0xa4: {  	s21 =	smov.u32 s2;
	[tilespmem:s26+$0x18060] =	vst v11;
	s25 =	smov.u32 @p1 s20  }
.LBB2_11:
0xa5: {  	s2 =	sshll.u32 s3, $0x9  }
0xa6: {  	p0 =	slt.s32 s25, s7;
	s26 =	sshra.s32 s2, $0x2;
	s2 =	smov.u32 s7  }
0xa7: {  	v5 =	vld [tilespmem:s26+$0x18000];
	s2 =	smov.u32 @p0 s25  }
0xa8: {  	s28 =	ssub.s32 s21, s15;
	v6 =	vld [tilespmem:s26+$0x18010];
	s20 =	ssub.s32 s2, s15  }
0xa9: {  	v7 =	vld [tilespmem:s26+$0x18020];
	p1 =	sge.s32 s28, s20  }
.Ltmp13:
0xaa: {  	v8 =	vld [tilespmem:s26+$0x18030];
	(pc) =	sbr.rel @p1 .LBB2_15-.Ltmp13, $4  }
0xab: {  	v9 =	vld [tilespmem:s26+$0x18040]  }
0xac: {  	v10 =	vld [tilespmem:s26+$0x18050]  }
0xad: {  	v11 =	vld [tilespmem:s26+$0x18060]  }
0xae: {  	v12 =	vld [tilespmem:s26+$0x18070]  }
0xaf: {  	s21 =	sadd.s32 s21, s18  }
0xb0: {  	s21 =	sshll.u32 s21, $0x9  }
0xb1: {  	s21 =	sshra.s32 s21, $0x2  }
0xb2: {  	s24 =	sadd.s32 $0x8040, s21  }
0xb3: {  	v16 =	vld [tilespmem:s24+$0x30]  }
0xb4: {  	v17 =	vld [tilespmem:s24+$0xFFFFFFD0]  }
0xb5: {  	v18 =	vld [tilespmem:s24+$0xFFFFFFE0]  }
0xb6: {  	s21 =	sadd.s32 $0x1, s28;
	v14 =	vld [tilespmem:s24+$0xFFFFFFF0]  }
0xb7: {  	v13 =	vld [tilespmem:s24+$0x0];
	p1 =	slt.s32 s21, s20  }
.Ltmp14:
0xb8: {  	v15 =	vld [tilespmem:s24+$0x10];
	(pc) =	sbr.rel @!p1 .LBB2_14-.Ltmp14, $3  }
0xb9: {  	v12 =	vadd.f32 v16, v12;
	v16 =	vld [tilespmem:s24+$0x20]  }
0xba: {  	v6 =	vadd.f32 v17, v6;
	v17 =	vld [tilespmem:s24+$0xFFFFFFC0];
	_ =	sdelay $0x1  }
0xbb: {  	s28 =	sadd.s32 $0x80, s24;
	v7 =	vadd.f32 v18, v7  }
.LBB2_13:
0xbc: {  	v18 =	vld [tilespmem:s28+$0x30];
	s21 =	sadd.s32 $0x1, s21;
	v8 =	vadd.f32 v14, v8  }
0xbd: {  	v9 =	vadd.f32 v13, v9;
	v19 =	vld [tilespmem:s28+$0xFFFFFFD0];
	p1 =	slt.s32 s21, s20  }
0xbe: {  	v10 =	vadd.f32 v15, v10;
	v20 =	vld [tilespmem:s28+$0xFFFFFFE0]  }
.Ltmp15:
0xbf: {  	v11 =	vadd.f32 v16, v11;
	v14 =	vld [tilespmem:s28+$0xFFFFFFF0];
	(pc) =	sbr.rel @p1 .LBB2_13-.Ltmp15, $4  }
0xc0: {  	v5 =	vadd.f32 v17, v5;
	v13 =	vld [tilespmem:s28+$0x0]  }
0xc1: {  	v15 =	vld [tilespmem:s28+$0x10];
	v12 =	vadd.f32 v18, v12  }
0xc2: {  	v6 =	vadd.f32 v19, v6;
	v16 =	vld [tilespmem:s28+$0x20]  }
0xc3: {  	v17 =	vld [tilespmem:s28+$0xFFFFFFC0];
	v7 =	vadd.f32 v20, v7;
	s28 =	sadd.s32 $0x80, s28  }
.Ltmp16:
0xc4: {  	_ = 	snop;
	(pc) =	sbr.rel .LBB2_14-.Ltmp16, $1  }
0xc5: {  	_ =	sdelay $0x3  }
.LBB2_16:
0xc6: {  	s2 =	sadd.s32 s8, s11  }
0xc7: {  	s2 =	sshrl.u32 s2, $0x3  }
.Ltmp17:
0xc8: {  	s7 =	simm.s32 $0x8000;
	s2 =	sadd.s32 s1, s2;
	(pc) =	sbr.rel .LBB2_17-.Ltmp17, $4  }
0xc9: {  	[tilespmem:s7], [sflag:$0x2] =	stream.strided.gather [hbm4b:s2+s22], $0x8000, s23, s22, $0x38;
	[tilespmem:$0x18880] =	vst v63  }
0xca: {  	s28 =	sshll.u32 s16, $0x8;
	_ =	swait.ge [sflag:s31], $0x8000  }
0xcb: {  	s8 =	sadd.s32 s5, s28;
	[sflag:s31] =	ssyncset.done $0x0  }
0xcc: {  	s20 =	smov.u32 s8;
	s7 =	sadd.s32 $0x100, s8;
	[sflag:s31] =	ssyncadd.s32 $0xFFFF8000  }
.LBB2_20:
0xcd: {  	v8 =	vadd.f32 v14, v8  }
0xce: {  	v9 =	vadd.f32 v13, v9;
	v10 =	vadd.f32 v15, v10  }
0xcf: {  	v11 =	vadd.f32 v16, v11;
	v5 =	vadd.f32 v17, v5  }
.LBB2_21:
0xd0: {  	p1 =	sle.s32 s25, s7;
	s16 =	simm.s32 $0x1  }
0xd1: {  	s16 =	simm.s32 @!p1 $0x0  }
0xd2: {  	s3 =	sadd.s32 s16, s3  }
0xd3: {  	v13 =	vmov s3  }
0xd4: {  	vm0 =	veq.s32 v13, v3  }
0xd5: {  	v13 =	vnsel vm0, $0x80000000, v4  }
0xd6: {  	(xrf0) =	vmax.scan.msk.u32 $0xffff, v13;
	_ =	sdelay $0x5  }
0xd7: {  	v13, _, _ =	vpop (xrf0)  }
0xd8: {  	(v2sf) =	vpush v13, $0xF;
	_ =	sdelay $0x9  }
0xd9: {  	[tilespmem:s15+$0x18010] =	vst v6  }
0xda: {  	[tilespmem:s15+$0x18020] =	vst v7  }
0xdb: {  	[tilespmem:s15+$0x18030] =	vst v8  }
.Ltmp18:
0xdc: {  	[tilespmem:s15+$0x18040] =	vst v9;
	(pc) =	sbr.rel @!p0 .LBB2_22-.Ltmp18, $4  }
0xdd: {  	[tilespmem:s15+$0x18050] =	vst v10  }
0xde: {  	[tilespmem:s15+$0x18070] =	vst v12;
	s28 =	spop (v2sf)  }
0xdf: {  	[tilespmem:s15+$0x18000] =	vst v5;
	s16 =	sxor.u32 $0x80000000, s28  }
0xe0: {  	s20 =	smov.u32 s2;
	[tilespmem:s15+$0x18060] =	vst v11;
	s25 =	smov.u32 @p1 s16  }
.LBB2_17:
0xe1: {  	s2 =	sshll.u32 s3, $0x9  }
0xe2: {  	p0 =	slt.s32 s25, s7;
	s15 =	sshra.s32 s2, $0x2;
	s2 =	smov.u32 s7  }
0xe3: {  	v5 =	vld [tilespmem:s15+$0x18000];
	s2 =	smov.u32 @p0 s25  }
0xe4: {  	s21 =	ssub.s32 s20, s8;
	v6 =	vld [tilespmem:s15+$0x18010];
	s16 =	ssub.s32 s2, s8  }
0xe5: {  	v7 =	vld [tilespmem:s15+$0x18020];
	p1 =	sge.s32 s21, s16  }
.Ltmp19:
0xe6: {  	v8 =	vld [tilespmem:s15+$0x18030];
	(pc) =	sbr.rel @p1 .LBB2_21-.Ltmp19, $4  }
0xe7: {  	v9 =	vld [tilespmem:s15+$0x18040]  }
0xe8: {  	v10 =	vld [tilespmem:s15+$0x18050]  }
0xe9: {  	v11 =	vld [tilespmem:s15+$0x18060]  }
0xea: {  	v12 =	vld [tilespmem:s15+$0x18070]  }
0xeb: {  	s20 =	sadd.s32 s20, s19  }
0xec: {  	s20 =	sshll.u32 s20, $0x9  }
0xed: {  	s20 =	sshra.s32 s20, $0x2  }
0xee: {  	s24 =	sadd.s32 $0x10040, s20  }
0xef: {  	v16 =	vld [tilespmem:s24+$0x30]  }
0xf0: {  	v17 =	vld [tilespmem:s24+$0xFFFFFFD0]  }
0xf1: {  	v18 =	vld [tilespmem:s24+$0xFFFFFFE0]  }
0xf2: {  	s20 =	sadd.s32 $0x1, s21;
	v14 =	vld [tilespmem:s24+$0xFFFFFFF0]  }
0xf3: {  	v13 =	vld [tilespmem:s24+$0x0];
	p1 =	slt.s32 s20, s16  }
.Ltmp20:
0xf4: {  	v15 =	vld [tilespmem:s24+$0x10];
	(pc) =	sbr.rel @!p1 .LBB2_20-.Ltmp20, $3  }
0xf5: {  	v12 =	vadd.f32 v16, v12;
	v16 =	vld [tilespmem:s24+$0x20]  }
0xf6: {  	v6 =	vadd.f32 v17, v6;
	v17 =	vld [tilespmem:s24+$0xFFFFFFC0];
	_ =	sdelay $0x1  }
0xf7: {  	s21 =	sadd.s32 $0x80, s24;
	v7 =	vadd.f32 v18, v7  }
.LBB2_19:
0xf8: {  	v18 =	vld [tilespmem:s21+$0x30];
	s20 =	sadd.s32 $0x1, s20;
	v8 =	vadd.f32 v14, v8  }
0xf9: {  	v9 =	vadd.f32 v13, v9;
	v19 =	vld [tilespmem:s21+$0xFFFFFFD0];
	p1 =	slt.s32 s20, s16  }
0xfa: {  	v10 =	vadd.f32 v15, v10;
	v20 =	vld [tilespmem:s21+$0xFFFFFFE0]  }
.Ltmp21:
0xfb: {  	v11 =	vadd.f32 v16, v11;
	v14 =	vld [tilespmem:s21+$0xFFFFFFF0];
	(pc) =	sbr.rel @p1 .LBB2_19-.Ltmp21, $4  }
0xfc: {  	v5 =	vadd.f32 v17, v5;
	v13 =	vld [tilespmem:s21+$0x0]  }
0xfd: {  	v15 =	vld [tilespmem:s21+$0x10];
	v12 =	vadd.f32 v18, v12  }
0xfe: {  	v6 =	vadd.f32 v19, v6;
	v16 =	vld [tilespmem:s21+$0x20]  }
0xff: {  	v17 =	vld [tilespmem:s21+$0xFFFFFFC0];
	v7 =	vadd.f32 v20, v7;
	s21 =	sadd.s32 $0x80, s21  }
.Ltmp22:
0x100: {  	_ = 	snop;
	(pc) =	sbr.rel .LBB2_20-.Ltmp22, $1  }
0x101: {  	_ =	sdelay $0x3  }
.LBB2_23:
.Ltmp23:
0x102: {  	(pc) =	sbr.rel .LBB2_24-.Ltmp23, $4  }
0x103: {  	_ = 	snop  }
0x104: {  	_ =	swait.ge [sflag:s29], $0x8000  }
0x105: {  	[sflag:s29] =	ssyncset.done $0x0;
	s16 =	rddreg [dreg:$0xb]  }
0x106: {  	s7 =	smov.u32 s12;
	s17 =	rddreg [dreg:$0xc];
	[sflag:s29] =	ssyncadd.s32 $0xFFFF8000  }
.LBB2_27:
0x107: {  	v8 =	vadd.f32 v13, v8  }
0x108: {  	v9 =	vadd.f32 v14, v9;
	v10 =	vadd.f32 v15, v10  }
0x109: {  	v11 =	vadd.f32 v16, v11;
	v5 =	vadd.f32 v17, v5  }
.LBB2_28:
0x10a: {  	p1 =	sle.s32 s25, s13;
	s7 =	simm.s32 $0x1  }
0x10b: {  	s7 =	simm.s32 @!p1 $0x0  }
0x10c: {  	s3 =	sadd.s32 s7, s3  }
0x10d: {  	v13 =	vmov s3  }
0x10e: {  	vm0 =	veq.s32 v13, v3  }
0x10f: {  	v13 =	vnsel vm0, $0x80000000, v4  }
0x110: {  	(xrf0) =	vmax.scan.msk.u32 $0xffff, v13;
	_ =	sdelay $0x5  }
0x111: {  	v13, _, _ =	vpop (xrf0)  }
0x112: {  	(v2sf) =	vpush v13, $0xF;
	_ =	sdelay $0x9  }
0x113: {  	[tilespmem:s0+$0x18010] =	vst v6  }
0x114: {  	[tilespmem:s0+$0x18020] =	vst v7  }
0x115: {  	[tilespmem:s0+$0x18030] =	vst v8  }
.Ltmp24:
0x116: {  	[tilespmem:s0+$0x18040] =	vst v9;
	(pc) =	sbr.rel @!p0 .LBB2_29-.Ltmp24, $4  }
0x117: {  	[tilespmem:s0+$0x18050] =	vst v10  }
0x118: {  	[tilespmem:s0+$0x18070] =	vst v12;
	s28 =	spop (v2sf)  }
0x119: {  	[tilespmem:s0+$0x18000] =	vst v5;
	s7 =	sxor.u32 $0x80000000, s28  }
0x11a: {  	[tilespmem:s0+$0x18060] =	vst v11;
	s25 =	smov.u32 @p1 s7;
	s7 =	smov.u32 s2  }
.LBB2_24:
0x11b: {  	s0 =	sshll.u32 s3, $0x9  }
0x11c: {  	p0 =	slt.s32 s25, s13;
	s2 =	smov.u32 s13;
	s0 =	sshra.s32 s0, $0x2  }
0x11d: {  	s2 =	smov.u32 @p0 s25;
	v5 =	vld [tilespmem:s0+$0x18000]  }
0x11e: {  	s8 =	ssub.s32 s7, s12;
	v6 =	vld [tilespmem:s0+$0x18010];
	s15 =	ssub.s32 s2, s12  }
0x11f: {  	v7 =	vld [tilespmem:s0+$0x18020];
	p1 =	sge.s32 s8, s15  }
.Ltmp25:
0x120: {  	v8 =	vld [tilespmem:s0+$0x18030];
	(pc) =	sbr.rel @p1 .LBB2_28-.Ltmp25, $4  }
0x121: {  	v9 =	vld [tilespmem:s0+$0x18040]  }
0x122: {  	v10 =	vld [tilespmem:s0+$0x18050]  }
0x123: {  	v11 =	vld [tilespmem:s0+$0x18060]  }
0x124: {  	v12 =	vld [tilespmem:s0+$0x18070]  }
0x125: {  	s8 =	sshll.u32 s7, $0x9  }
0x126: {  	s8 =	sshra.s32 s8, $0x2  }
0x127: {  	s8 =	sadd.s32 s8, s16  }
0x128: {  	v16 =	vld [tilespmem:s8+$0x70]  }
0x129: {  	v17 =	vld [tilespmem:s8+$0x10]  }
0x12a: {  	s28 =	ssub.s32 s7, s2;
	v18 =	vld [tilespmem:s8+$0x20]  }
0x12b: {  	s7 =	sadd.s32 $0x1, s28;
	v13 =	vld [tilespmem:s8+$0x30]  }
0x12c: {  	p1 =	seq.s32 s7, $0x0;
	v14 =	vld [tilespmem:s8+$0x40]  }
.Ltmp26:
0x12d: {  	v15 =	vld [tilespmem:s8+$0x50];
	(pc) =	sbr.rel @p1 .LBB2_27-.Ltmp26, $3  }
0x12e: {  	v12 =	vadd.f32 v16, v12;
	v16 =	vld [tilespmem:s8+$0x60]  }
0x12f: {  	v6 =	vadd.f32 v17, v6;
	v17 =	vld [tilespmem:s8+$0x0];
	_ =	sdelay $0x1  }
0x130: {  	v7 =	vadd.f32 v18, v7;
	s8 =	sadd.s32 $0x80, s8  }
.LBB2_26:
0x131: {  	v18 =	vld [tilespmem:s8+$0x70];
	s7 =	sadd.s32 $0x1, s7;
	v8 =	vadd.f32 v13, v8  }
0x132: {  	v9 =	vadd.f32 v14, v9;
	v19 =	vld [tilespmem:s8+$0x10];
	p1 =	seq.s32 s7, $0x0  }
0x133: {  	v10 =	vadd.f32 v15, v10;
	v20 =	vld [tilespmem:s8+$0x20]  }
.Ltmp27:
0x134: {  	v11 =	vadd.f32 v16, v11;
	v13 =	vld [tilespmem:s8+$0x30];
	(pc) =	sbr.rel @!p1 .LBB2_26-.Ltmp27, $4  }
0x135: {  	v5 =	vadd.f32 v17, v5;
	v14 =	vld [tilespmem:s8+$0x40]  }
0x136: {  	v15 =	vld [tilespmem:s8+$0x50];
	v12 =	vadd.f32 v18, v12  }
0x137: {  	v6 =	vadd.f32 v19, v6;
	v16 =	vld [tilespmem:s8+$0x60]  }
0x138: {  	v17 =	vld [tilespmem:s8+$0x0];
	v7 =	vadd.f32 v20, v7;
	s8 =	sadd.s32 $0x80, s8  }
.Ltmp28:
0x139: {  	_ = 	snop;
	(pc) =	sbr.rel .LBB2_27-.Ltmp28, $1  }
0x13a: {  	_ =	sdelay $0x3  }
.LBB2_29:
.Ltmp29:
0x13b: {  	(pc) =	sbr.rel .LBB2_30-.Ltmp29, $4  }
0x13c: {  	_ = 	snop  }
0x13d: {  	_ =	swait.ge [sflag:s30], $0x8000  }
0x13e: {  	[sflag:s30] =	ssyncset.done $0x0  }
0x13f: {  	s7 =	smov.u32 s13;
	[sflag:s30] =	ssyncadd.s32 $0xFFFF8000  }
.LBB2_33:
0x140: {  	v8 =	vadd.f32 v13, v8  }
0x141: {  	v9 =	vadd.f32 v14, v9;
	v10 =	vadd.f32 v15, v10  }
0x142: {  	v11 =	vadd.f32 v16, v11;
	v5 =	vadd.f32 v17, v5  }
.LBB2_34:
0x143: {  	p1 =	sle.s32 s25, s14;
	s7 =	simm.s32 $0x1  }
0x144: {  	s7 =	simm.s32 @!p1 $0x0  }
0x145: {  	s3 =	sadd.s32 s7, s3  }
0x146: {  	v13 =	vmov s3  }
0x147: {  	vm0 =	veq.s32 v13, v3  }
0x148: {  	v13 =	vnsel vm0, $0x80000000, v4  }
0x149: {  	(xrf0) =	vmax.scan.msk.u32 $0xffff, v13;
	_ =	sdelay $0x5  }
0x14a: {  	v13, _, _ =	vpop (xrf0)  }
0x14b: {  	(v2sf) =	vpush v13, $0xF;
	_ =	sdelay $0x9  }
0x14c: {  	[tilespmem:s0+$0x18010] =	vst v6  }
0x14d: {  	[tilespmem:s0+$0x18020] =	vst v7  }
0x14e: {  	[tilespmem:s0+$0x18030] =	vst v8  }
.Ltmp30:
0x14f: {  	[tilespmem:s0+$0x18040] =	vst v9;
	(pc) =	sbr.rel @!p0 .LBB2_35-.Ltmp30, $4  }
0x150: {  	[tilespmem:s0+$0x18050] =	vst v10  }
0x151: {  	[tilespmem:s0+$0x18070] =	vst v12;
	s28 =	spop (v2sf)  }
0x152: {  	[tilespmem:s0+$0x18000] =	vst v5;
	s7 =	sxor.u32 $0x80000000, s28  }
0x153: {  	[tilespmem:s0+$0x18060] =	vst v11;
	s25 =	smov.u32 @p1 s7;
	s7 =	smov.u32 s2  }
.LBB2_30:
0x154: {  	s0 =	sshll.u32 s3, $0x9  }
0x155: {  	p0 =	slt.s32 s25, s14;
	s2 =	smov.u32 s14;
	s0 =	sshra.s32 s0, $0x2  }
0x156: {  	s2 =	smov.u32 @p0 s25;
	v5 =	vld [tilespmem:s0+$0x18000]  }
0x157: {  	s8 =	ssub.s32 s7, s13;
	v6 =	vld [tilespmem:s0+$0x18010];
	s15 =	ssub.s32 s2, s13  }
0x158: {  	v7 =	vld [tilespmem:s0+$0x18020];
	p1 =	sge.s32 s8, s15  }
.Ltmp31:
0x159: {  	v8 =	vld [tilespmem:s0+$0x18030];
	(pc) =	sbr.rel @p1 .LBB2_34-.Ltmp31, $4  }
0x15a: {  	v9 =	vld [tilespmem:s0+$0x18040]  }
0x15b: {  	v10 =	vld [tilespmem:s0+$0x18050]  }
0x15c: {  	v11 =	vld [tilespmem:s0+$0x18060]  }
0x15d: {  	v12 =	vld [tilespmem:s0+$0x18070]  }
0x15e: {  	s8 =	sshll.u32 s7, $0x9  }
0x15f: {  	s8 =	sshra.s32 s8, $0x2  }
0x160: {  	s8 =	sadd.s32 s8, s17  }
0x161: {  	v16 =	vld [tilespmem:s8+$0x70]  }
0x162: {  	v17 =	vld [tilespmem:s8+$0x10]  }
0x163: {  	s28 =	ssub.s32 s7, s2;
	v18 =	vld [tilespmem:s8+$0x20]  }
0x164: {  	s7 =	sadd.s32 $0x1, s28;
	v13 =	vld [tilespmem:s8+$0x30]  }
0x165: {  	p1 =	seq.s32 s7, $0x0;
	v14 =	vld [tilespmem:s8+$0x40]  }
.Ltmp32:
0x166: {  	v15 =	vld [tilespmem:s8+$0x50];
	(pc) =	sbr.rel @p1 .LBB2_33-.Ltmp32, $3  }
0x167: {  	v12 =	vadd.f32 v16, v12;
	v16 =	vld [tilespmem:s8+$0x60]  }
0x168: {  	v6 =	vadd.f32 v17, v6;
	v17 =	vld [tilespmem:s8+$0x0];
	_ =	sdelay $0x1  }
0x169: {  	v7 =	vadd.f32 v18, v7;
	s8 =	sadd.s32 $0x80, s8  }
.LBB2_32:
0x16a: {  	v18 =	vld [tilespmem:s8+$0x70];
	s7 =	sadd.s32 $0x1, s7;
	v8 =	vadd.f32 v13, v8  }
0x16b: {  	v9 =	vadd.f32 v14, v9;
	v19 =	vld [tilespmem:s8+$0x10];
	p1 =	seq.s32 s7, $0x0  }
0x16c: {  	v10 =	vadd.f32 v15, v10;
	v20 =	vld [tilespmem:s8+$0x20]  }
.Ltmp33:
0x16d: {  	v11 =	vadd.f32 v16, v11;
	v13 =	vld [tilespmem:s8+$0x30];
	(pc) =	sbr.rel @!p1 .LBB2_32-.Ltmp33, $4  }
0x16e: {  	v5 =	vadd.f32 v17, v5;
	v14 =	vld [tilespmem:s8+$0x40]  }
0x16f: {  	v15 =	vld [tilespmem:s8+$0x50];
	v12 =	vadd.f32 v18, v12  }
0x170: {  	v6 =	vadd.f32 v19, v6;
	v16 =	vld [tilespmem:s8+$0x60]  }
0x171: {  	v17 =	vld [tilespmem:s8+$0x0];
	v7 =	vadd.f32 v20, v7;
	s8 =	sadd.s32 $0x80, s8  }
.Ltmp34:
0x172: {  	_ = 	snop;
	(pc) =	sbr.rel .LBB2_33-.Ltmp34, $1  }
0x173: {  	_ =	sdelay $0x3  }
.LBB2_36:
0x174: {  	_ =	sfence.sel $0x180000  }
0x175: {  	[bflag:$0x0] =	sbarrier.arrive $0xFFFF  }
0x176: {  	_ =	strace $0x90000047  }
0x177: {  	s0 =	stileid.u32;
	[bflag:$0x2] =	sbarrier.arrive $0xFFFF  }
0x178: {  	p0 =	sne.s32 s0, $0x0;
	s0 =	rddreg [dreg:$0x3]  }
0x179: {  	s0 =	sadd.s32 @!p0 $0x100000, s0  }
0x17a: {  	[sflag:s0] =	ssyncadd.tile.s32 @!p0 $0x1;
	_ =	shalt  }
.Lfunc_end2:
_tile_overlayer_lowered:
.L_overlay_start_2:
0x17b: {  	(tag) =	ssettag $0x2  }
0x17c: {  	s0 =	rddreg [dreg:$0x0];
	s2 =	stileid.u32  }
0x17d: {  	s1 =	rddreg [dreg:$0x1];
	p0 =	sne.s32 s2, $0x0  }
0x17e: {  	s3 =	rddreg [dreg:$0x2];
	[bflag:$0x3] =	sbarrier.arrive $0xFFFF;
	s2 =	simm.s32 @!p0 $0x1C04  }
0x17f: {  	[timem:s3], [sflag:s2] =	dma.local @!p0 [hbm:s0], s1  }
0x180: {  	s0 =	simm.s32 @!p0 $0x4  }
0x181: {  	_ =	swait.ge @!p0 [sflag:s0], s1  }
0x182: {  	s1 =	ssub.s32 @!p0 $0x0, s1;
	[sflag:s0] =	ssyncset.done @!p0 $0x0  }
0x183: {  	[sflag:s0] =	ssyncadd.s32 @!p0 s1  }
0x184: {  	[bflag:$0x3] =	sbarrier.arrive $0xFFFF  }
0x185: {  	_ =	shalt  }

</sc_bundles>
